<compile_context>
chip_gen: v7x
topology: tpu7x:2x2x1
jax: 0.10.2.dev20260603
libtpu: 0.0.44.dev20260713+nightly
codegen_flags: <defaults>
</compile_context>

<pallas_src>
import functools
import math

import jax
import jax.numpy as jnp
from jax import lax
from jax.experimental import pallas as pl
from jax.experimental.pallas import tpu as pltpu
from jax.experimental.pallas import tpu_sc as plsc

N_T = 1000
N_PAD = 1024
OSC = 112
HID = 192
N_STEPS = 5
DT = 0.01
THRESH = 0.1
TWO_PI = 2.0 * math.pi
EPS = 1e-8
NEG = -3.0e38
BIG = 1 << 30
LANES = 16
PRIV = LANES * N_PAD
NCHUNK = N_PAD // LANES


def _tc_body(dt_hbm, dt1_hbm, wp1_hbm, bp1_hbm, wp2_hbm, bp2_hbm, wp3_hbm,
             bp3_hbm, wr1_hbm, br1_hbm, wr2_hbm, br2_hbm, om_hbm,
             sim_ref, msim_ref, midx_ref,
             dt_ref, dt1_ref, wp1_ref, bp1_ref, wp2_ref, bp2_ref, wp3_ref,
             bp3_ref, wr1_ref, br1_ref, wr2_ref, br2_ref, om_ref, sem):
    f32 = jnp.float32
    cn = (((0,), (0,)), ((), ()))
    sn = (((1,), (0,)), ((), ()))

    copies = [pltpu.make_async_copy(h, v, sem) for h, v in (
        (dt_hbm, dt_ref), (dt1_hbm, dt1_ref), (wp1_hbm, wp1_ref),
        (bp1_hbm, bp1_ref), (wp2_hbm, wp2_ref), (bp2_hbm, bp2_ref),
        (wp3_hbm, wp3_ref), (bp3_hbm, bp3_ref), (wr1_hbm, wr1_ref),
        (br1_hbm, br1_ref), (wr2_hbm, wr2_ref), (br2_hbm, br2_ref),
        (om_hbm, om_ref))]
    for c in copies:
        c.start()
    for c in copies:
        c.wait()

    bp1c = bp1_ref[...][:, None]
    bp2c = bp2_ref[...][:, None]
    bp3c = bp3_ref[...][:, None]
    br1c = br1_ref[...][:, None]
    br2c = br2_ref[...][:, None]

    def mlp_phase(dT):
        h = jnp.maximum(
            lax.dot_general(wp1_ref[...], dT, cn, preferred_element_type=f32)
            + bp1c, 0.0)
        h = jnp.maximum(
            lax.dot_general(wp2_ref[...], h, sn, preferred_element_type=f32)
            + bp2c, 0.0)
        return lax.dot_general(wp3_ref[...], h, cn,
                               preferred_element_type=f32) + bp3c

    ph_t = jnp.mod(mlp_phase(dt_ref[...]), TWO_PI)
    ph_1 = jnp.mod(mlp_phase(dt1_ref[...]), TWO_PI)

    step = om_ref[...][:, None] * f32(TWO_PI * DT)
    ph = ph_t
    for _ in range(N_STEPS):
        ph = ph + step
    ph = jnp.mod(ph, TWO_PI)
    hr = jnp.maximum(
        lax.dot_general(wr1_ref[...], ph, sn, preferred_element_type=f32)
        + br1c, 0.0)
    r = lax.dot_general(wr2_ref[...], hr, cn, preferred_element_type=f32) + br2c
    ph = jnp.mod(ph + 0.1 * r, TWO_PI)

    ca, sa = jnp.cos(ph), jnp.sin(ph)
    cb, sb = jnp.cos(ph_1), jnp.sin(ph_1)
    na = jnp.sqrt(jnp.sum(ca * ca + sa * sa, axis=0, keepdims=True)) + EPS
    nb = jnp.sqrt(jnp.sum(cb * cb + sb * sb, axis=0, keepdims=True)) + EPS
    sim = (lax.dot_general(ca / na, cb / nb, cn, preferred_element_type=f32)
           + lax.dot_general(sa / na, sb / nb, cn, preferred_element_type=f32))

    sim_ref[...] = sim

    colf = lax.broadcasted_iota(jnp.int32, (1, N_T), 1).astype(f32)
    msim = jnp.max(sim, axis=1, keepdims=True)
    midxf = jnp.min(jnp.where(sim == msim, colf, f32(3e38)), axis=1,
                    keepdims=True)
    midx = midxf.astype(jnp.int32)

    msim_ref[0:N_T] = msim[:, 0]
    msim_ref[N_T:N_PAD] = jnp.full((N_PAD - N_T,), NEG, f32)
    midx_ref[0:N_T] = midx[:, 0]
    midx_ref[N_T:N_PAD] = jnp.zeros((N_PAD - N_T,), jnp.int32)


_tc_call = pl.pallas_call(
    _tc_body,
    in_specs=[pl.BlockSpec(memory_space=pl.ANY)] * 13,
    out_shape=(
        jax.ShapeDtypeStruct((N_T, N_T), jnp.float32),
        jax.ShapeDtypeStruct((N_PAD,), jnp.float32),
        jax.ShapeDtypeStruct((N_PAD,), jnp.int32),
    ),
    scratch_shapes=[
        pltpu.VMEM((4, N_T), jnp.float32),
        pltpu.VMEM((4, N_T), jnp.float32),
        pltpu.VMEM((4, HID), jnp.float32),
        pltpu.VMEM((HID,), jnp.float32),
        pltpu.VMEM((HID, HID), jnp.float32),
        pltpu.VMEM((HID,), jnp.float32),
        pltpu.VMEM((HID, OSC), jnp.float32),
        pltpu.VMEM((OSC,), jnp.float32),
        pltpu.VMEM((HID, OSC), jnp.float32),
        pltpu.VMEM((HID,), jnp.float32),
        pltpu.VMEM((HID, OSC), jnp.float32),
        pltpu.VMEM((OSC,), jnp.float32),
        pltpu.VMEM((OSC,), jnp.float32),
        pltpu.SemaphoreType.DMA,
    ],
)


def _sc_body(msim_hbm, midx_hbm, initf_hbm, initi_hbm, out_hbm,
             sims_v, idxs_v, priv_f, best_f, priv_i, best_i, match_v, sem):
    is0 = jnp.logical_and(lax.axis_index("c") == 0, lax.axis_index("s") == 0)
    UNR = 4

    @pl.when(is0)
    def _():
        c1 = pltpu.make_async_copy(msim_hbm, sims_v, sem)
        c2 = pltpu.make_async_copy(midx_hbm, idxs_v, sem)
        c3 = pltpu.make_async_copy(initf_hbm, priv_f, sem)
        c4 = pltpu.make_async_copy(initi_hbm, priv_i, sem)
        c1.start(); c2.start(); c3.start(); c4.start()
        c1.wait(); c2.wait(); c3.wait(); c4.wait()

        lanes = lax.iota(jnp.int32, 16)
        laneoff = lanes * N_PAD

        def pass_a(kk, carry):
            for u in range(UNR):
                off = pl.multiple_of(kk * (LANES * UNR) + u * LANES, LANES)
                v = sims_v[pl.ds(off, LANES)]
                ix = idxs_v[pl.ds(off, LANES)]
                addr = laneoff + ix
                cur = plsc.load_gather(priv_f, [addr])
                plsc.store_scatter(priv_f, [addr], jnp.maximum(cur, v))
            return carry
        lax.fori_loop(0, NCHUNK // UNR, pass_a, 0)

        def red_a(kk, carry):
            for u in range(2):
                off = pl.multiple_of(kk * (LANES * 2) + u * LANES, LANES)
                acc = priv_f[pl.ds(off, LANES)]
                for l in range(1, LANES):
                    acc = jnp.maximum(acc, priv_f[pl.ds(off + l * N_PAD, LANES)])
                best_f[pl.ds(off, LANES)] = acc
            return carry
        lax.fori_loop(0, NCHUNK // 2, red_a, 0)

        def pass_b(kk, carry):
            for u in range(UNR):
                k = kk * UNR + u
                off = pl.multiple_of(k * LANES, LANES)
                v = sims_v[pl.ds(off, LANES)]
                ix = idxs_v[pl.ds(off, LANES)]
                bj = plsc.load_gather(best_f, [ix])
                cand = jnp.logical_and(v == bj, v >= THRESH)
                rows = k * LANES + lanes
                addr = laneoff + ix
                cur = plsc.load_gather(priv_i, [addr])
                plsc.store_scatter(priv_i, [addr],
                                   jnp.where(cand, jnp.minimum(cur, rows), cur))
            return carry
        lax.fori_loop(0, NCHUNK // UNR, pass_b, 0)

        def red_b(kk, carry):
            for u in range(2):
                off = pl.multiple_of(kk * (LANES * 2) + u * LANES, LANES)
                acc = priv_i[pl.ds(off, LANES)]
                for l in range(1, LANES):
                    acc = jnp.minimum(acc, priv_i[pl.ds(off + l * N_PAD, LANES)])
                best_i[pl.ds(off, LANES)] = acc
            return carry
        lax.fori_loop(0, NCHUNK // 2, red_b, 0)

        def pass_c(kk, carry):
            for u in range(UNR):
                k = kk * UNR + u
                off = pl.multiple_of(k * LANES, LANES)
                ix = idxs_v[pl.ds(off, LANES)]
                w = plsc.load_gather(best_i, [ix])
                rows = k * LANES + lanes
                match_v[pl.ds(off, LANES)] = jnp.where(w == rows, ix, -1)
            return carry
        lax.fori_loop(0, NCHUNK // UNR, pass_c, 0)

        pltpu.sync_copy(match_v, out_hbm)


def _make_sc_match():
    return functools.partial(
        pl.kernel,
        mesh=plsc.VectorSubcoreMesh(core_axis_name="c", subcore_axis_name="s"),
        out_type=jax.ShapeDtypeStruct((N_PAD,), jnp.int32),
        compiler_params=pltpu.CompilerParams(needs_layout_passes=False),
        scratch_types=[
            pltpu.VMEM((N_PAD,), jnp.float32),
            pltpu.VMEM((N_PAD,), jnp.int32),
            pltpu.VMEM((PRIV,), jnp.float32),
            pltpu.VMEM((N_PAD,), jnp.float32),
            pltpu.VMEM((PRIV,), jnp.int32),
            pltpu.VMEM((N_PAD,), jnp.int32),
            pltpu.VMEM((N_PAD,), jnp.int32),
            pltpu.SemaphoreType.DMA,
        ],
    )(_sc_body)


def kernel(detections_t, detections_t1, Wp1, bp1, Wp2, bp2, Wp3, bp3,
           Wa1, ba1, Wa2, ba2, Wr1, br1, Wr2, br2, omega):
    f32 = jnp.float32
    sim, msim, midx = _tc_call(detections_t.T, detections_t1.T, Wp1.T, bp1,
                               Wp2, bp2, Wp3.T, bp3, Wr1, br1, Wr2.T, br2,
                               omega)

    initf = jnp.full((PRIV,), NEG, f32)
    initi = jnp.full((PRIV,), BIG, jnp.int32)
    matches = _make_sc_match()(msim, midx, initf, initi)
    return matches[:N_T], sim

# --- scband reference (transcript-rebuilt; emitter-appended) ---
"""Pipeline reference for scband-phase-tracker-large-36833639530538 (READ-ONLY COPY).

The authoritative reference and input builder live on the scoring server;
editing this copy changes nothing except your own understanding.
"""

import jax, jax.numpy as jnp
import numpy as np
import math

N_T = 1000
N_T1 = 1000
DET = 4
N_OSC = 112
HID = 192
N_STEPS = 5
DT = 0.01
THRESH = 0.1
TWO_PI = 2.0 * math.pi


def _lin_init(k, fan_in, fan_out):
    lim = 1.0 / np.sqrt(fan_in)
    kw, kb = jax.random.split(k)
    W = jax.random.uniform(kw, (fan_out, fan_in), minval=-lim, maxval=lim, dtype=jnp.float32)
    b = jax.random.uniform(kb, (fan_out,), minval=-lim, maxval=lim, dtype=jnp.float32)
    return W, b


def setup_inputs(seed: int = 0):
    key = jax.random.key(seed)
    ks = jax.random.split(key, 12)
    inp = {}
    inp['detections_t'] = jax.random.normal(ks[0], (N_T, DET), dtype=jnp.float32)
    inp['detections_t1'] = jax.random.normal(ks[1], (N_T1, DET), dtype=jnp.float32)
    inp['Wp1'], inp['bp1'] = _lin_init(ks[2], DET, HID)
    inp['Wp2'], inp['bp2'] = _lin_init(ks[3], HID, HID)
    inp['Wp3'], inp['bp3'] = _lin_init(ks[4], HID, N_OSC)
    inp['Wa1'], inp['ba1'] = _lin_init(ks[5], DET, HID)
    inp['Wa2'], inp['ba2'] = _lin_init(ks[6], HID, N_OSC)
    inp['Wr1'], inp['br1'] = _lin_init(ks[7], N_OSC, HID)
    inp['Wr2'], inp['br2'] = _lin_init(ks[8], HID, N_OSC)
    n_delta = N_OSC // 7
    n_theta = N_OSC * 2 // 7
    n_gamma = N_OSC - n_delta - n_theta
    omega = jnp.concatenate([
        jnp.linspace(1.0, 4.0, n_delta),
        jnp.linspace(4.0, 8.0, n_theta),
        jnp.linspace(30.0, 100.0, n_gamma),
    ]).astype(jnp.float32)
    inp['omega'] = omega
    return inp


def _forward(detections_t, detections_t1, Wp1, bp1, Wp2, bp2, Wp3, bp3,
             Wa1, ba1, Wa2, ba2, Wr1, br1, Wr2, br2, omega):
    def encode(d):
        h = jax.nn.relu(d @ Wp1.T + bp1)
        h = jax.nn.relu(h @ Wp2.T + bp2)
        phase = (h @ Wp3.T + bp3) % TWO_PI
        a = jax.nn.relu(d @ Wa1.T + ba1)
        amp = jax.nn.softplus(a @ Wa2.T + ba2)
        return phase, amp

    phase_t, amp_t = encode(detections_t)
    phase_t1, amp_t1 = encode(detections_t1)

    # DiscreteDeltaThetaGamma.integrate: band-frequency phase advance over n_steps
    ph = phase_t
    for _ in range(N_STEPS):
        ph = ph + TWO_PI * omega * DT
    ph = ph % TWO_PI
    # residual refinement
    ph = (ph + 0.1 * (jax.nn.relu(ph @ Wr1.T + br1) @ Wr2.T + br2)) % TWO_PI

    # phase similarity: Re(<z_a_norm, conj(z_b_norm)>) expressed with real cos/sin
    # (mathematically identical to the complex-exponential form in the torch code)
    eps = 1e-08
    ca, sa = jnp.cos(ph), jnp.sin(ph)
    cb, sb = jnp.cos(phase_t1), jnp.sin(phase_t1)
    na = jnp.sqrt(jnp.sum(ca * ca + sa * sa, axis=-1, keepdims=True)) + eps
    nb = jnp.sqrt(jnp.sum(cb * cb + sb * sb, axis=-1, keepdims=True)) + eps
    sim = (ca / na) @ (cb / nb).T + (sa / na) @ (sb / nb).T
    return sim.astype(jnp.float32)


def _greedy_match(sim):
    max_sims = jnp.max(sim, axis=1)
    max_idxs = jnp.argmax(sim, axis=1).astype(jnp.int32)
    order = jnp.argsort(-max_sims)
    matches0 = jnp.full((sim.shape[0],), -1, dtype=jnp.int32)
    used0 = jnp.zeros((sim.shape[1],), dtype=bool)

    def body(i, carry):
        matches, used = carry
        idx = order[i]
        bj = max_idxs[idx]
        ok = jnp.logical_and(jnp.logical_not(used[bj]), max_sims[idx] >= THRESH)
        matches = matches.at[idx].set(jnp.where(ok, bj, matches[idx]))
        used = used.at[bj].set(jnp.logical_or(used[bj], ok))
        return (matches, used)

    matches, _ = jax.lax.fori_loop(0, sim.shape[0], body, (matches0, used0))
    return matches


def reference(detections_t, detections_t1, Wp1, bp1, Wp2, bp2, Wp3, bp3,
              Wa1, ba1, Wa2, ba2, Wr1, br1, Wr2, br2, omega):
    sim = _forward(detections_t, detections_t1, Wp1, bp1, Wp2, bp2, Wp3, bp3,
                   Wa1, ba1, Wa2, ba2, Wr1, br1, Wr2, br2, omega)
    matches = _greedy_match(sim)
    return (matches, sim)

if __name__ == "__main__":
    import jax
    _d = setup_inputs()
    print(jax.jit(kernel)(*tuple(_d.values())))

</pallas_src>

<mosaic_0001>
#map = affine_map<(d0, d1) -> (0)>
module attributes {stable_mosaic.version = 14 : i64} {
  func.func @_sc_body(%arg0: i32, %arg1: i32, %arg2: memref<1024xf32, #tpu.memory_space<hbm>>, %arg3: memref<1024xi32, #tpu.memory_space<hbm>>, %arg4: memref<16384xf32, #tpu.memory_space<hbm>>, %arg5: memref<16384xi32, #tpu.memory_space<hbm>>, %arg6: memref<1024xi32, #tpu.memory_space<hbm>>, %arg7: memref<1024xf32, #tpu.memory_space<vmem>>, %arg8: memref<1024xi32, #tpu.memory_space<vmem>>, %arg9: memref<16384xf32, #tpu.memory_space<vmem>>, %arg10: memref<1024xf32, #tpu.memory_space<vmem>>, %arg11: memref<16384xi32, #tpu.memory_space<vmem>>, %arg12: memref<1024xi32, #tpu.memory_space<vmem>>, %arg13: memref<1024xi32, #tpu.memory_space<vmem>>, %arg14: memref<!tpu.dma_semaphore, #tpu.memory_space<semaphore_mem>>) attributes {dimension_semantics = [#tpu.dimension_semantics<core_parallel>, #tpu.dimension_semantics<subcore_parallel>], iteration_bounds = array<i64: 2, 16>, scalar_prefetch = 0 : i64, scratch_operands = 8 : i64, tpu.core_type = #tpu.core_type<sc_vector_subcore>, window_params = [{transform_indices = #map}, {transform_indices = #map}, {transform_indices = #map}, {transform_indices = #map}, {transform_indices = #map}]} {
    %eq3A = arith.constant 0 : i32
    %eq3A_0 = arith.cmpi eq, %arg0, %eq3A : i32
    %eq3A_1 = arith.constant 0 : i32
    %eq3A_2 = arith.cmpi eq, %arg1, %eq3A_1 : i32
    %and3A = arith.andi %eq3A_0, %eq3A_2 : i1
    %convert_element_type3A = arith.extui %and3A : i1 to i32
    %cond3A = arith.constant 0 : i32
    %cond3A_3 = arith.cmpi ne, %convert_element_type3A, %cond3A : i32
    scf.if %cond3A_3 {
      tpu.enqueue_dma source(%arg2 : memref<1024xf32, #tpu.memory_space<hbm>>) target(%arg7 : memref<1024xf32, #tpu.memory_space<vmem>>) target_semaphore(%arg14 : memref<!tpu.dma_semaphore, #tpu.memory_space<semaphore_mem>>)
      tpu.enqueue_dma source(%arg3 : memref<1024xi32, #tpu.memory_space<hbm>>) target(%arg8 : memref<1024xi32, #tpu.memory_space<vmem>>) target_semaphore(%arg14 : memref<!tpu.dma_semaphore, #tpu.memory_space<semaphore_mem>>)
      tpu.enqueue_dma source(%arg4 : memref<16384xf32, #tpu.memory_space<hbm>>) target(%arg9 : memref<16384xf32, #tpu.memory_space<vmem>>) target_semaphore(%arg14 : memref<!tpu.dma_semaphore, #tpu.memory_space<semaphore_mem>>)
      tpu.enqueue_dma source(%arg5 : memref<16384xi32, #tpu.memory_space<hbm>>) target(%arg11 : memref<16384xi32, #tpu.memory_space<vmem>>) target_semaphore(%arg14 : memref<!tpu.dma_semaphore, #tpu.memory_space<semaphore_mem>>)
      tpu.wait_dma2 semaphore(%arg14 : memref<!tpu.dma_semaphore, #tpu.memory_space<semaphore_mem>>) src(%arg2 : memref<1024xf32, #tpu.memory_space<hbm>>) dst(%arg7 : memref<1024xf32, #tpu.memory_space<vmem>>)
      tpu.wait_dma2 semaphore(%arg14 : memref<!tpu.dma_semaphore, #tpu.memory_space<semaphore_mem>>) src(%arg3 : memref<1024xi32, #tpu.memory_space<hbm>>) dst(%arg8 : memref<1024xi32, #tpu.memory_space<vmem>>)
      tpu.wait_dma2 semaphore(%arg14 : memref<!tpu.dma_semaphore, #tpu.memory_space<semaphore_mem>>) src(%arg4 : memref<16384xf32, #tpu.memory_space<hbm>>) dst(%arg9 : memref<16384xf32, #tpu.memory_space<vmem>>)
      tpu.wait_dma2 semaphore(%arg14 : memref<!tpu.dma_semaphore, #tpu.memory_space<semaphore_mem>>) src(%arg5 : memref<16384xi32, #tpu.memory_space<hbm>>) dst(%arg11 : memref<16384xi32, #tpu.memory_space<vmem>>)
      %iota3A = tpu.iota {dimensions = array<i32: 0>} : vector<16xi32>
      %mul3A = arith.constant 1024 : i32
      %mul3A_4 = vector.broadcast %mul3A : i32 to vector<16xi32>
      %mul3A_5 = arith.muli %iota3A, %mul3A_4 : vector<16xi32>
      %scan3A = arith.constant 0 : i32
      %scan3A_6 = arith.constant 0 : i32
      %scan3A_7 = arith.constant 16 : i32
      %scan3A_8 = arith.addi %scan3A_6, %scan3A_7 : i32
      %scan3A_9 = arith.constant 1 : i32
      scf.for %scan3A_35 = %scan3A_6 to %scan3A_8 step %scan3A_9  : i32 {
        %mul3A_36 = arith.constant 64 : i32
        %mul3A_37 = arith.muli %scan3A_35, %mul3A_36 : i32
        %add3A = arith.constant 0 : i32
        %add3A_38 = arith.addi %mul3A_37, %add3A : i32
        %multiple_of3A = tpu.assume_multiple %add3A_38, 16 : i32
        %get3A = arith.index_cast %multiple_of3A : i32 to index
        %get3A_39 = tpu.vector_load %arg7[%get3A] {strides = array<i32>} : memref<1024xf32, #tpu.memory_space<vmem>>, vector<16xf32>,
        %get3A_40 = arith.index_cast %multiple_of3A : i32 to index
        %get3A_41 = tpu.vector_load %arg8[%get3A_40] {strides = array<i32>} : memref<1024xi32, #tpu.memory_space<vmem>>, vector<16xi32>,
        %add3A_42 = arith.addi %mul3A_5, %get3A_41 : vector<16xi32>
        %gather3A = tpu.vector_load_idx %arg9[%add3A_42] : memref<16384xf32, #tpu.memory_space<vmem>>[vector<16xi32>], vector<16xf32>,
        %max3A = arith.maximumf %gather3A, %get3A_39 : vector<16xf32>
        tpu.vector_store_idx %arg9[%add3A_42], %max3A : memref<16384xf32, #tpu.memory_space<vmem>>[vector<16xi32>], vector<16xf32>,
        %mul3A_43 = arith.constant 64 : i32
        %mul3A_44 = arith.muli %scan3A_35, %mul3A_43 : i32
        %add3A_45 = arith.constant 16 : i32
        %add3A_46 = arith.addi %mul3A_44, %add3A_45 : i32
        %multiple_of3A_47 = tpu.assume_multiple %add3A_46, 16 : i32
        %get3A_48 = arith.index_cast %multiple_of3A_47 : i32 to index
        %get3A_49 = tpu.vector_load %arg7[%get3A_48] {strides = array<i32>} : memref<1024xf32, #tpu.memory_space<vmem>>, vector<16xf32>,
        %get3A_50 = arith.index_cast %multiple_of3A_47 : i32 to index
        %get3A_51 = tpu.vector_load %arg8[%get3A_50] {strides = array<i32>} : memref<1024xi32, #tpu.memory_space<vmem>>, vector<16xi32>,
        %add3A_52 = arith.addi %mul3A_5, %get3A_51 : vector<16xi32>
        %gather3A_53 = tpu.vector_load_idx %arg9[%add3A_52] : memref<16384xf32, #tpu.memory_space<vmem>>[vector<16xi32>], vector<16xf32>,
        %max3A_54 = arith.maximumf %gather3A_53, %get3A_49 : vector<16xf32>
        tpu.vector_store_idx %arg9[%add3A_52], %max3A_54 : memref<16384xf32, #tpu.memory_space<vmem>>[vector<16xi32>], vector<16xf32>,
        %mul3A_55 = arith.constant 64 : i32
        %mul3A_56 = arith.muli %scan3A_35, %mul3A_55 : i32
        %add3A_57 = arith.constant 32 : i32
        %add3A_58 = arith.addi %mul3A_56, %add3A_57 : i32
        %multiple_of3A_59 = tpu.assume_multiple %add3A_58, 16 : i32
        %get3A_60 = arith.index_cast %multiple_of3A_59 : i32 to index
        %get3A_61 = tpu.vector_load %arg7[%get3A_60] {strides = array<i32>} : memref<1024xf32, #tpu.memory_space<vmem>>, vector<16xf32>,
        %get3A_62 = arith.index_cast %multiple_of3A_59 : i32 to index
        %get3A_63 = tpu.vector_load %arg8[%get3A_62] {strides = array<i32>} : memref<1024xi32, #tpu.memory_space<vmem>>, vector<16xi32>,
        %add3A_64 = arith.addi %mul3A_5, %get3A_63 : vector<16xi32>
        %gather3A_65 = tpu.vector_load_idx %arg9[%add3A_64] : memref<16384xf32, #tpu.memory_space<vmem>>[vector<16xi32>], vector<16xf32>,
        %max3A_66 = arith.maximumf %gather3A_65, %get3A_61 : vector<16xf32>
        tpu.vector_store_idx %arg9[%add3A_64], %max3A_66 : memref<16384xf32, #tpu.memory_space<vmem>>[vector<16xi32>], vector<16xf32>,
        %mul3A_67 = arith.constant 64 : i32
        %mul3A_68 = arith.muli %scan3A_35, %mul3A_67 : i32
        %add3A_69 = arith.constant 48 : i32
        %add3A_70 = arith.addi %mul3A_68, %add3A_69 : i32
        %multiple_of3A_71 = tpu.assume_multiple %add3A_70, 16 : i32
        %get3A_72 = arith.index_cast %multiple_of3A_71 : i32 to index
        %get3A_73 = tpu.vector_load %arg7[%get3A_72] {strides = array<i32>} : memref<1024xf32, #tpu.memory_space<vmem>>, vector<16xf32>,
        %get3A_74 = arith.index_cast %multiple_of3A_71 : i32 to index
        %get3A_75 = tpu.vector_load %arg8[%get3A_74] {strides = array<i32>} : memref<1024xi32, #tpu.memory_space<vmem>>, vector<16xi32>,
        %add3A_76 = arith.addi %mul3A_5, %get3A_75 : vector<16xi32>
        %gather3A_77 = tpu.vector_load_idx %arg9[%add3A_76] : memref<16384xf32, #tpu.memory_space<vmem>>[vector<16xi32>], vector<16xf32>,
        %max3A_78 = arith.maximumf %gather3A_77, %get3A_73 : vector<16xf32>
        tpu.vector_store_idx %arg9[%add3A_76], %max3A_78 : memref<16384xf32, #tpu.memory_space<vmem>>[vector<16xi32>], vector<16xf32>,
      }
      %scan3A_10 = arith.constant 16 : i32
      %scan3A_11 = arith.constant 0 : i32
      %scan3A_12 = arith.constant 0 : i32
      %scan3A_13 = arith.constant 32 : i32
      %scan3A_14 = arith.addi %scan3A_12, %scan3A_13 : i32
      %scan3A_15 = arith.constant 1 : i32
      scf.for %scan3A_35 = %scan3A_12 to %scan3A_14 step %scan3A_15  : i32 {
        %mul3A_36 = arith.constant 32 : i32
        %mul3A_37 = arith.muli %scan3A_35, %mul3A_36 : i32
        %add3A = arith.constant 0 : i32
        %add3A_38 = arith.addi %mul3A_37, %add3A : i32
        %multiple_of3A = tpu.assume_multiple %add3A_38, 16 : i32
        %get3A = arith.index_cast %multiple_of3A : i32 to index
        %get3A_39 = tpu.vector_load %arg9[%get3A] {strides = array<i32>} : memref<16384xf32, #tpu.memory_space<vmem>>, vector<16xf32>,
        %add3A_40 = arith.constant 1024 : i32
        %add3A_41 = arith.addi %multiple_of3A, %add3A_40 : i32
        %get3A_42 = arith.index_cast %add3A_41 : i32 to index
        %get3A_43 = tpu.vector_load %arg9[%get3A_42] {strides = array<i32>} : memref<16384xf32, #tpu.memory_space<vmem>>, vector<16xf32>,
        %max3A = arith.maximumf %get3A_39, %get3A_43 : vector<16xf32>
        %add3A_44 = arith.constant 2048 : i32
        %add3A_45 = arith.addi %multiple_of3A, %add3A_44 : i32
        %get3A_46 = arith.index_cast %add3A_45 : i32 to index
        %get3A_47 = tpu.vector_load %arg9[%get3A_46] {strides = array<i32>} : memref<16384xf32, #tpu.memory_space<vmem>>, vector<16xf32>,
        %max3A_48 = arith.maximumf %max3A, %get3A_47 : vector<16xf32>
        %add3A_49 = arith.constant 3072 : i32
        %add3A_50 = arith.addi %multiple_of3A, %add3A_49 : i32
        %get3A_51 = arith.index_cast %add3A_50 : i32 to index
        %get3A_52 = tpu.vector_load %arg9[%get3A_51] {strides = array<i32>} : memref<16384xf32, #tpu.memory_space<vmem>>, vector<16xf32>,
        %max3A_53 = arith.maximumf %max3A_48, %get3A_52 : vector<16xf32>
        %add3A_54 = arith.constant 4096 : i32
        %add3A_55 = arith.addi %multiple_of3A, %add3A_54 : i32
        %get3A_56 = arith.index_cast %add3A_55 : i32 to index
        %get3A_57 = tpu.vector_load %arg9[%get3A_56] {strides = array<i32>} : memref<16384xf32, #tpu.memory_space<vmem>>, vector<16xf32>,
        %max3A_58 = arith.maximumf %max3A_53, %get3A_57 : vector<16xf32>
        %add3A_59 = arith.constant 5120 : i32
        %add3A_60 = arith.addi %multiple_of3A, %add3A_59 : i32
        %get3A_61 = arith.index_cast %add3A_60 : i32 to index
        %get3A_62 = tpu.vector_load %arg9[%get3A_61] {strides = array<i32>} : memref<16384xf32, #tpu.memory_space<vmem>>, vector<16xf32>,
        %max3A_63 = arith.maximumf %max3A_58, %get3A_62 : vector<16xf32>
        %add3A_64 = arith.constant 6144 : i32
        %add3A_65 = arith.addi %multiple_of3A, %add3A_64 : i32
        %get3A_66 = arith.index_cast %add3A_65 : i32 to index
        %get3A_67 = tpu.vector_load %arg9[%get3A_66] {strides = array<i32>} : memref<16384xf32, #tpu.memory_space<vmem>>, vector<16xf32>,
        %max3A_68 = arith.maximumf %max3A_63, %get3A_67 : vector<16xf32>
        %add3A_69 = arith.constant 7168 : i32
        %add3A_70 = arith.addi %multiple_of3A, %add3A_69 : i32
        %get3A_71 = arith.index_cast %add3A_70 : i32 to index
        %get3A_72 = tpu.vector_load %arg9[%get3A_71] {strides = array<i32>} : memref<16384xf32, #tpu.memory_space<vmem>>, vector<16xf32>,
        %max3A_73 = arith.maximumf %max3A_68, %get3A_72 : vector<16xf32>
        %add3A_74 = arith.constant 8192 : i32
        %add3A_75 = arith.addi %multiple_of3A, %add3A_74 : i32
        %get3A_76 = arith.index_cast %add3A_75 : i32 to index
        %get3A_77 = tpu.vector_load %arg9[%get3A_76] {strides = array<i32>} : memref<16384xf32, #tpu.memory_space<vmem>>, vector<16xf32>,
        %max3A_78 = arith.maximumf %max3A_73, %get3A_77 : vector<16xf32>
        %add3A_79 = arith.constant 9216 : i32
        %add3A_80 = arith.addi %multiple_of3A, %add3A_79 : i32
        %get3A_81 = arith.index_cast %add3A_80 : i32 to index
        %get3A_82 = tpu.vector_load %arg9[%get3A_81] {strides = array<i32>} : memref<16384xf32, #tpu.memory_space<vmem>>, vector<16xf32>,
        %max3A_83 = arith.maximumf %max3A_78, %get3A_82 : vector<16xf32>
        %add3A_84 = arith.constant 10240 : i32
        %add3A_85 = arith.addi %multiple_of3A, %add3A_84 : i32
        %get3A_86 = arith.index_cast %add3A_85 : i32 to index
        %get3A_87 = tpu.vector_load %arg9[%get3A_86] {strides = array<i32>} : memref<16384xf32, #tpu.memory_space<vmem>>, vector<16xf32>,
        %max3A_88 = arith.maximumf %max3A_83, %get3A_87 : vector<16xf32>
        %add3A_89 = arith.constant 11264 : i32
        %add3A_90 = arith.addi %multiple_of3A, %add3A_89 : i32
        %get3A_91 = arith.index_cast %add3A_90 : i32 to index
        %get3A_92 = tpu.vector_load %arg9[%get3A_91] {strides = array<i32>} : memref<16384xf32, #tpu.memory_space<vmem>>, vector<16xf32>,
        %max3A_93 = arith.maximumf %max3A_88, %get3A_92 : vector<16xf32>
        %add3A_94 = arith.constant 12288 : i32
        %add3A_95 = arith.addi %multiple_of3A, %add3A_94 : i32
        %get3A_96 = arith.index_cast %add3A_95 : i32 to index
        %get3A_97 = tpu.vector_load %arg9[%get3A_96] {strides = array<i32>} : memref<16384xf32, #tpu.memory_space<vmem>>, vector<16xf32>,
        %max3A_98 = arith.maximumf %max3A_93, %get3A_97 : vector<16xf32>
        %add3A_99 = arith.constant 13312 : i32
        %add3A_100 = arith.addi %multiple_of3A, %add3A_99 : i32
        %get3A_101 = arith.index_cast %add3A_100 : i32 to index
        %get3A_102 = tpu.vector_load %arg9[%get3A_101] {strides = array<i32>} : memref<16384xf32, #tpu.memory_space<vmem>>, vector<16xf32>,
        %max3A_103 = arith.maximumf %max3A_98, %get3A_102 : vector<16xf32>
        %add3A_104 = arith.constant 14336 : i32
        %add3A_105 = arith.addi %multiple_of3A, %add3A_104 : i32
        %get3A_106 = arith.index_cast %add3A_105 : i32 to index
        %get3A_107 = tpu.vector_load %arg9[%get3A_106] {strides = array<i32>} : memref<16384xf32, #tpu.memory_space<vmem>>, vector<16xf32>,
        %max3A_108 = arith.maximumf %max3A_103, %get3A_107 : vector<16xf32>
        %add3A_109 = arith.constant 15360 : i32
        %add3A_110 = arith.addi %multiple_of3A, %add3A_109 : i32
        %get3A_111 = arith.index_cast %add3A_110 : i32 to index
        %get3A_112 = tpu.vector_load %arg9[%get3A_111] {strides = array<i32>} : memref<16384xf32, #tpu.memory_space<vmem>>, vector<16xf32>,
        %max3A_113 = arith.maximumf %max3A_108, %get3A_112 : vector<16xf32>
        %swap3A = arith.index_cast %multiple_of3A : i32 to index
        %swap3A_114 = tpu.vector_load %arg10[%swap3A] {strides = array<i32>} : memref<1024xf32, #tpu.memory_space<vmem>>, vector<16xf32>,
        tpu.vector_store %arg10[%swap3A], %max3A_113 {strides = array<i32>} : memref<1024xf32, #tpu.memory_space<vmem>>, vector<16xf32>,
        %mul3A_115 = arith.constant 32 : i32
        %mul3A_116 = arith.muli %scan3A_35, %mul3A_115 : i32
        %add3A_117 = arith.constant 16 : i32
        %add3A_118 = arith.addi %mul3A_116, %add3A_117 : i32
        %multiple_of3A_119 = tpu.assume_multiple %add3A_118, 16 : i32
        %get3A_120 = arith.index_cast %multiple_of3A_119 : i32 to index
        %get3A_121 = tpu.vector_load %arg9[%get3A_120] {strides = array<i32>} : memref<16384xf32, #tpu.memory_space<vmem>>, vector<16xf32>,
        %add3A_122 = arith.constant 1024 : i32
        %add3A_123 = arith.addi %multiple_of3A_119, %add3A_122 : i32
        %get3A_124 = arith.index_cast %add3A_123 : i32 to index
        %get3A_125 = tpu.vector_load %arg9[%get3A_124] {strides = array<i32>} : memref<16384xf32, #tpu.memory_space<vmem>>, vector<16xf32>,
        %max3A_126 = arith.maximumf %get3A_121, %get3A_125 : vector<16xf32>
        %add3A_127 = arith.constant 2048 : i32
        %add3A_128 = arith.addi %multiple_of3A_119, %add3A_127 : i32
        %get3A_129 = arith.index_cast %add3A_128 : i32 to index
        %get3A_130 = tpu.vector_load %arg9[%get3A_129] {strides = array<i32>} : memref<16384xf32, #tpu.memory_space<vmem>>, vector<16xf32>,
        %max3A_131 = arith.maximumf %max3A_126, %get3A_130 : vector<16xf32>
        %add3A_132 = arith.constant 3072 : i32
        %add3A_133 = arith.addi %multiple_of3A_119, %add3A_132 : i32
        %get3A_134 = arith.index_cast %add3A_133 : i32 to index
        %get3A_135 = tpu.vector_load %arg9[%get3A_134] {strides = array<i32>} : memref<16384xf32, #tpu.memory_space<vmem>>, vector<16xf32>,
        %max3A_136 = arith.maximumf %max3A_131, %get3A_135 : vector<16xf32>
        %add3A_137 = arith.constant 4096 : i32
        %add3A_138 = arith.addi %multiple_of3A_119, %add3A_137 : i32
        %get3A_139 = arith.index_cast %add3A_138 : i32 to index
        %get3A_140 = tpu.vector_load %arg9[%get3A_139] {strides = array<i32>} : memref<16384xf32, #tpu.memory_space<vmem>>, vector<16xf32>,
        %max3A_141 = arith.maximumf %max3A_136, %get3A_140 : vector<16xf32>
        %add3A_142 = arith.constant 5120 : i32
        %add3A_143 = arith.addi %multiple_of3A_119, %add3A_142 : i32
        %get3A_144 = arith.index_cast %add3A_143 : i32 to index
        %get3A_145 = tpu.vector_load %arg9[%get3A_144] {strides = array<i32>} : memref<16384xf32, #tpu.memory_space<vmem>>, vector<16xf32>,
        %max3A_146 = arith.maximumf %max3A_141, %get3A_145 : vector<16xf32>
        %add3A_147 = arith.constant 6144 : i32
        %add3A_148 = arith.addi %multiple_of3A_119, %add3A_147 : i32
        %get3A_149 = arith.index_cast %add3A_148 : i32 to index
        %get3A_150 = tpu.vector_load %arg9[%get3A_149] {strides = array<i32>} : memref<16384xf32, #tpu.memory_space<vmem>>, vector<16xf32>,
        %max3A_151 = arith.maximumf %max3A_146, %get3A_150 : vector<16xf32>
        %add3A_152 = arith.constant 7168 : i32
        %add3A_153 = arith.addi %multiple_of3A_119, %add3A_152 : i32
        %get3A_154 = arith.index_cast %add3A_153 : i32 to index
        %get3A_155 = tpu.vector_load %arg9[%get3A_154] {strides = array<i32>} : memref<16384xf32, #tpu.memory_space<vmem>>, vector<16xf32>,
        %max3A_156 = arith.maximumf %max3A_151, %get3A_155 : vector<16xf32>
        %add3A_157 = arith.constant 8192 : i32
        %add3A_158 = arith.addi %multiple_of3A_119, %add3A_157 : i32
        %get3A_159 = arith.index_cast %add3A_158 : i32 to index
        %get3A_160 = tpu.vector_load %arg9[%get3A_159] {strides = array<i32>} : memref<16384xf32, #tpu.memory_space<vmem>>, vector<16xf32>,
        %max3A_161 = arith.maximumf %max3A_156, %get3A_160 : vector<16xf32>
        %add3A_162 = arith.constant 9216 : i32
        %add3A_163 = arith.addi %multiple_of3A_119, %add3A_162 : i32
        %get3A_164 = arith.index_cast %add3A_163 : i32 to index
        %get3A_165 = tpu.vector_load %arg9[%get3A_164] {strides = array<i32>} : memref<16384xf32, #tpu.memory_space<vmem>>, vector<16xf32>,
        %max3A_166 = arith.maximumf %max3A_161, %get3A_165 : vector<16xf32>
        %add3A_167 = arith.constant 10240 : i32
        %add3A_168 = arith.addi %multiple_of3A_119, %add3A_167 : i32
        %get3A_169 = arith.index_cast %add3A_168 : i32 to index
        %get3A_170 = tpu.vector_load %arg9[%get3A_169] {strides = array<i32>} : memref<16384xf32, #tpu.memory_space<vmem>>, vector<16xf32>,
        %max3A_171 = arith.maximumf %max3A_166, %get3A_170 : vector<16xf32>
        %add3A_172 = arith.constant 11264 : i32
        %add3A_173 = arith.addi %multiple_of3A_119, %add3A_172 : i32
        %get3A_174 = arith.index_cast %add3A_173 : i32 to index
        %get3A_175 = tpu.vector_load %arg9[%get3A_174] {strides = array<i32>} : memref<16384xf32, #tpu.memory_space<vmem>>, vector<16xf32>,
        %max3A_176 = arith.maximumf %max3A_171, %get3A_175 : vector<16xf32>
        %add3A_177 = arith.constant 12288 : i32
        %add3A_178 = arith.addi %multiple_of3A_119, %add3A_177 : i32
        %get3A_179 = arith.index_cast %add3A_178 : i32 to index
        %get3A_180 = tpu.vector_load %arg9[%get3A_179] {strides = array<i32>} : memref<16384xf32, #tpu.memory_space<vmem>>, vector<16xf32>,
        %max3A_181 = arith.maximumf %max3A_176, %get3A_180 : vector<16xf32>
        %add3A_182 = arith.constant 13312 : i32
        %add3A_183 = arith.addi %multiple_of3A_119, %add3A_182 : i32
        %get3A_184 = arith.index_cast %add3A_183 : i32 to index
        %get3A_185 = tpu.vector_load %arg9[%get3A_184] {strides = array<i32>} : memref<16384xf32, #tpu.memory_space<vmem>>, vector<16xf32>,
        %max3A_186 = arith.maximumf %max3A_181, %get3A_185 : vector<16xf32>
        %add3A_187 = arith.constant 14336 : i32
        %add3A_188 = arith.addi %multiple_of3A_119, %add3A_187 : i32
        %get3A_189 = arith.index_cast %add3A_188 : i32 to index
        %get3A_190 = tpu.vector_load %arg9[%get3A_189] {strides = array<i32>} : memref<16384xf32, #tpu.memory_space<vmem>>, vector<16xf32>,
        %max3A_191 = arith.maximumf %max3A_186, %get3A_190 : vector<16xf32>
        %add3A_192 = arith.constant 15360 : i32
        %add3A_193 = arith.addi %multiple_of3A_119, %add3A_192 : i32
        %get3A_194 = arith.index_cast %add3A_193 : i32 to index
        %get3A_195 = tpu.vector_load %arg9[%get3A_194] {strides = array<i32>} : memref<16384xf32, #tpu.memory_space<vmem>>, vector<16xf32>,
        %max3A_196 = arith.maximumf %max3A_191, %get3A_195 : vector<16xf32>
        %swap3A_197 = arith.index_cast %multiple_of3A_119 : i32 to index
        %swap3A_198 = tpu.vector_load %arg10[%swap3A_197] {strides = array<i32>} : memref<1024xf32, #tpu.memory_space<vmem>>, vector<16xf32>,
        tpu.vector_store %arg10[%swap3A_197], %max3A_196 {strides = array<i32>} : memref<1024xf32, #tpu.memory_space<vmem>>, vector<16xf32>,
      }
      %scan3A_16 = arith.constant 32 : i32
      %scan3A_17 = arith.constant 0 : i32
      %scan3A_18 = arith.constant 0 : i32
      %scan3A_19 = arith.constant 16 : i32
      %scan3A_20 = arith.addi %scan3A_18, %scan3A_19 : i32
      %scan3A_21 = arith.constant 1 : i32
      scf.for %scan3A_35 = %scan3A_18 to %scan3A_20 step %scan3A_21  : i32 {
        %mul3A_36 = arith.constant 4 : i32
        %mul3A_37 = arith.muli %scan3A_35, %mul3A_36 : i32
        %add3A = arith.constant 0 : i32
        %add3A_38 = arith.addi %mul3A_37, %add3A : i32
        %mul3A_39 = arith.constant 16 : i32
        %mul3A_40 = arith.muli %add3A_38, %mul3A_39 : i32
        %multiple_of3A = tpu.assume_multiple %mul3A_40, 16 : i32
        %get3A = arith.index_cast %multiple_of3A : i32 to index
        %get3A_41 = tpu.vector_load %arg7[%get3A] {strides = array<i32>} : memref<1024xf32, #tpu.memory_space<vmem>>, vector<16xf32>,
        %get3A_42 = arith.index_cast %multiple_of3A : i32 to index
        %get3A_43 = tpu.vector_load %arg8[%get3A_42] {strides = array<i32>} : memref<1024xi32, #tpu.memory_space<vmem>>, vector<16xi32>,
        %gather3A = tpu.vector_load_idx %arg10[%get3A_43] : memref<1024xf32, #tpu.memory_space<vmem>>[vector<16xi32>], vector<16xf32>,
        %eq3A_44 = arith.cmpf oeq, %get3A_41, %gather3A : vector<16xf32>
        %ge3A = arith.constant 1.000000e-01 : f32
        %ge3A_45 = vector.broadcast %ge3A : f32 to vector<16xf32>
        %ge3A_46 = arith.cmpf oge, %get3A_41, %ge3A_45 : vector<16xf32>
        %and3A_47 = arith.andi %eq3A_44, %ge3A_46 : vector<16xi1>
        %mul3A_48 = arith.constant 16 : i32
        %mul3A_49 = arith.muli %add3A_38, %mul3A_48 : i32
        %add3A_50 = vector.broadcast %mul3A_49 : i32 to vector<16xi32>
        %add3A_51 = arith.addi %add3A_50, %iota3A : vector<16xi32>
        %add3A_52 = arith.addi %mul3A_5, %get3A_43 : vector<16xi32>
        %gather3A_53 = tpu.vector_load_idx %arg11[%add3A_52] : memref<16384xi32, #tpu.memory_space<vmem>>[vector<16xi32>], vector<16xi32>,
        %min3A = arith.minsi %gather3A_53, %add3A_51 : vector<16xi32>
        %select_n3A = arith.select %and3A_47, %min3A, %gather3A_53 : vector<16xi1>, vector<16xi32>
        tpu.vector_store_idx %arg11[%add3A_52], %select_n3A : memref<16384xi32, #tpu.memory_space<vmem>>[vector<16xi32>], vector<16xi32>,
        %mul3A_54 = arith.constant 4 : i32
        %mul3A_55 = arith.muli %scan3A_35, %mul3A_54 : i32
        %add3A_56 = arith.constant 1 : i32
        %add3A_57 = arith.addi %mul3A_55, %add3A_56 : i32
        %mul3A_58 = arith.constant 16 : i32
        %mul3A_59 = arith.muli %add3A_57, %mul3A_58 : i32
        %multiple_of3A_60 = tpu.assume_multiple %mul3A_59, 16 : i32
        %get3A_61 = arith.index_cast %multiple_of3A_60 : i32 to index
        %get3A_62 = tpu.vector_load %arg7[%get3A_61] {strides = array<i32>} : memref<1024xf32, #tpu.memory_space<vmem>>, vector<16xf32>,
        %get3A_63 = arith.index_cast %multiple_of3A_60 : i32 to index
        %get3A_64 = tpu.vector_load %arg8[%get3A_63] {strides = array<i32>} : memref<1024xi32, #tpu.memory_space<vmem>>, vector<16xi32>,
        %gather3A_65 = tpu.vector_load_idx %arg10[%get3A_64] : memref<1024xf32, #tpu.memory_space<vmem>>[vector<16xi32>], vector<16xf32>,
        %eq3A_66 = arith.cmpf oeq, %get3A_62, %gather3A_65 : vector<16xf32>
        %ge3A_67 = arith.constant 1.000000e-01 : f32
        %ge3A_68 = vector.broadcast %ge3A_67 : f32 to vector<16xf32>
        %ge3A_69 = arith.cmpf oge, %get3A_62, %ge3A_68 : vector<16xf32>
        %and3A_70 = arith.andi %eq3A_66, %ge3A_69 : vector<16xi1>
        %mul3A_71 = arith.constant 16 : i32
        %mul3A_72 = arith.muli %add3A_57, %mul3A_71 : i32
        %add3A_73 = vector.broadcast %mul3A_72 : i32 to vector<16xi32>
        %add3A_74 = arith.addi %add3A_73, %iota3A : vector<16xi32>
        %add3A_75 = arith.addi %mul3A_5, %get3A_64 : vector<16xi32>
        %gather3A_76 = tpu.vector_load_idx %arg11[%add3A_75] : memref<16384xi32, #tpu.memory_space<vmem>>[vector<16xi32>], vector<16xi32>,
        %min3A_77 = arith.minsi %gather3A_76, %add3A_74 : vector<16xi32>
        %select_n3A_78 = arith.select %and3A_70, %min3A_77, %gather3A_76 : vector<16xi1>, vector<16xi32>
        tpu.vector_store_idx %arg11[%add3A_75], %select_n3A_78 : memref<16384xi32, #tpu.memory_space<vmem>>[vector<16xi32>], vector<16xi32>,
        %mul3A_79 = arith.constant 4 : i32
        %mul3A_80 = arith.muli %scan3A_35, %mul3A_79 : i32
        %add3A_81 = arith.constant 2 : i32
        %add3A_82 = arith.addi %mul3A_80, %add3A_81 : i32
        %mul3A_83 = arith.constant 16 : i32
        %mul3A_84 = arith.muli %add3A_82, %mul3A_83 : i32
        %multiple_of3A_85 = tpu.assume_multiple %mul3A_84, 16 : i32
        %get3A_86 = arith.index_cast %multiple_of3A_85 : i32 to index
        %get3A_87 = tpu.vector_load %arg7[%get3A_86] {strides = array<i32>} : memref<1024xf32, #tpu.memory_space<vmem>>, vector<16xf32>,
        %get3A_88 = arith.index_cast %multiple_of3A_85 : i32 to index
        %get3A_89 = tpu.vector_load %arg8[%get3A_88] {strides = array<i32>} : memref<1024xi32, #tpu.memory_space<vmem>>, vector<16xi32>,
        %gather3A_90 = tpu.vector_load_idx %arg10[%get3A_89] : memref<1024xf32, #tpu.memory_space<vmem>>[vector<16xi32>], vector<16xf32>,
        %eq3A_91 = arith.cmpf oeq, %get3A_87, %gather3A_90 : vector<16xf32>
        %ge3A_92 = arith.constant 1.000000e-01 : f32
        %ge3A_93 = vector.broadcast %ge3A_92 : f32 to vector<16xf32>
        %ge3A_94 = arith.cmpf oge, %get3A_87, %ge3A_93 : vector<16xf32>
        %and3A_95 = arith.andi %eq3A_91, %ge3A_94 : vector<16xi1>
        %mul3A_96 = arith.constant 16 : i32
        %mul3A_97 = arith.muli %add3A_82, %mul3A_96 : i32
        %add3A_98 = vector.broadcast %mul3A_97 : i32 to vector<16xi32>
        %add3A_99 = arith.addi %add3A_98, %iota3A : vector<16xi32>
        %add3A_100 = arith.addi %mul3A_5, %get3A_89 : vector<16xi32>
        %gather3A_101 = tpu.vector_load_idx %arg11[%add3A_100] : memref<16384xi32, #tpu.memory_space<vmem>>[vector<16xi32>], vector<16xi32>,
        %min3A_102 = arith.minsi %gather3A_101, %add3A_99 : vector<16xi32>
        %select_n3A_103 = arith.select %and3A_95, %min3A_102, %gather3A_101 : vector<16xi1>, vector<16xi32>
        tpu.vector_store_idx %arg11[%add3A_100], %select_n3A_103 : memref<16384xi32, #tpu.memory_space<vmem>>[vector<16xi32>], vector<16xi32>,
        %mul3A_104 = arith.constant 4 : i32
        %mul3A_105 = arith.muli %scan3A_35, %mul3A_104 : i32
        %add3A_106 = arith.constant 3 : i32
        %add3A_107 = arith.addi %mul3A_105, %add3A_106 : i32
        %mul3A_108 = arith.constant 16 : i32
        %mul3A_109 = arith.muli %add3A_107, %mul3A_108 : i32
        %multiple_of3A_110 = tpu.assume_multiple %mul3A_109, 16 : i32
        %get3A_111 = arith.index_cast %multiple_of3A_110 : i32 to index
        %get3A_112 = tpu.vector_load %arg7[%get3A_111] {strides = array<i32>} : memref<1024xf32, #tpu.memory_space<vmem>>, vector<16xf32>,
        %get3A_113 = arith.index_cast %multiple_of3A_110 : i32 to index
        %get3A_114 = tpu.vector_load %arg8[%get3A_113] {strides = array<i32>} : memref<1024xi32, #tpu.memory_space<vmem>>, vector<16xi32>,
        %gather3A_115 = tpu.vector_load_idx %arg10[%get3A_114] : memref<1024xf32, #tpu.memory_space<vmem>>[vector<16xi32>], vector<16xf32>,
        %eq3A_116 = arith.cmpf oeq, %get3A_112, %gather3A_115 : vector<16xf32>
        %ge3A_117 = arith.constant 1.000000e-01 : f32
        %ge3A_118 = vector.broadcast %ge3A_117 : f32 to vector<16xf32>
        %ge3A_119 = arith.cmpf oge, %get3A_112, %ge3A_118 : vector<16xf32>
        %and3A_120 = arith.andi %eq3A_116, %ge3A_119 : vector<16xi1>
        %mul3A_121 = arith.constant 16 : i32
        %mul3A_122 = arith.muli %add3A_107, %mul3A_121 : i32
        %add3A_123 = vector.broadcast %mul3A_122 : i32 to vector<16xi32>
        %add3A_124 = arith.addi %add3A_123, %iota3A : vector<16xi32>
        %add3A_125 = arith.addi %mul3A_5, %get3A_114 : vector<16xi32>
        %gather3A_126 = tpu.vector_load_idx %arg11[%add3A_125] : memref<16384xi32, #tpu.memory_space<vmem>>[vector<16xi32>], vector<16xi32>,
        %min3A_127 = arith.minsi %gather3A_126, %add3A_124 : vector<16xi32>
        %select_n3A_128 = arith.select %and3A_120, %min3A_127, %gather3A_126 : vector<16xi1>, vector<16xi32>
        tpu.vector_store_idx %arg11[%add3A_125], %select_n3A_128 : memref<16384xi32, #tpu.memory_space<vmem>>[vector<16xi32>], vector<16xi32>,
      }
      %scan3A_22 = arith.constant 16 : i32
      %scan3A_23 = arith.constant 0 : i32
      %scan3A_24 = arith.constant 0 : i32
      %scan3A_25 = arith.constant 32 : i32
      %scan3A_26 = arith.addi %scan3A_24, %scan3A_25 : i32
      %scan3A_27 = arith.constant 1 : i32
      scf.for %scan3A_35 = %scan3A_24 to %scan3A_26 step %scan3A_27  : i32 {
        %mul3A_36 = arith.constant 32 : i32
        %mul3A_37 = arith.muli %scan3A_35, %mul3A_36 : i32
        %add3A = arith.constant 0 : i32
        %add3A_38 = arith.addi %mul3A_37, %add3A : i32
        %multiple_of3A = tpu.assume_multiple %add3A_38, 16 : i32
        %get3A = arith.index_cast %multiple_of3A : i32 to index
        %get3A_39 = tpu.vector_load %arg11[%get3A] {strides = array<i32>} : memref<16384xi32, #tpu.memory_space<vmem>>, vector<16xi32>,
        %add3A_40 = arith.constant 1024 : i32
        %add3A_41 = arith.addi %multiple_of3A, %add3A_40 : i32
        %get3A_42 = arith.index_cast %add3A_41 : i32 to index
        %get3A_43 = tpu.vector_load %arg11[%get3A_42] {strides = array<i32>} : memref<16384xi32, #tpu.memory_space<vmem>>, vector<16xi32>,
        %min3A = arith.minsi %get3A_39, %get3A_43 : vector<16xi32>
        %add3A_44 = arith.constant 2048 : i32
        %add3A_45 = arith.addi %multiple_of3A, %add3A_44 : i32
        %get3A_46 = arith.index_cast %add3A_45 : i32 to index
        %get3A_47 = tpu.vector_load %arg11[%get3A_46] {strides = array<i32>} : memref<16384xi32, #tpu.memory_space<vmem>>, vector<16xi32>,
        %min3A_48 = arith.minsi %min3A, %get3A_47 : vector<16xi32>
        %add3A_49 = arith.constant 3072 : i32
        %add3A_50 = arith.addi %multiple_of3A, %add3A_49 : i32
        %get3A_51 = arith.index_cast %add3A_50 : i32 to index
        %get3A_52 = tpu.vector_load %arg11[%get3A_51] {strides = array<i32>} : memref<16384xi32, #tpu.memory_space<vmem>>, vector<16xi32>,
        %min3A_53 = arith.minsi %min3A_48, %get3A_52 : vector<16xi32>
        %add3A_54 = arith.constant 4096 : i32
        %add3A_55 = arith.addi %multiple_of3A, %add3A_54 : i32
        %get3A_56 = arith.index_cast %add3A_55 : i32 to index
        %get3A_57 = tpu.vector_load %arg11[%get3A_56] {strides = array<i32>} : memref<16384xi32, #tpu.memory_space<vmem>>, vector<16xi32>,
        %min3A_58 = arith.minsi %min3A_53, %get3A_57 : vector<16xi32>
        %add3A_59 = arith.constant 5120 : i32
        %add3A_60 = arith.addi %multiple_of3A, %add3A_59 : i32
        %get3A_61 = arith.index_cast %add3A_60 : i32 to index
        %get3A_62 = tpu.vector_load %arg11[%get3A_61] {strides = array<i32>} : memref<16384xi32, #tpu.memory_space<vmem>>, vector<16xi32>,
        %min3A_63 = arith.minsi %min3A_58, %get3A_62 : vector<16xi32>
        %add3A_64 = arith.constant 6144 : i32
        %add3A_65 = arith.addi %multiple_of3A, %add3A_64 : i32
        %get3A_66 = arith.index_cast %add3A_65 : i32 to index
        %get3A_67 = tpu.vector_load %arg11[%get3A_66] {strides = array<i32>} : memref<16384xi32, #tpu.memory_space<vmem>>, vector<16xi32>,
        %min3A_68 = arith.minsi %min3A_63, %get3A_67 : vector<16xi32>
        %add3A_69 = arith.constant 7168 : i32
        %add3A_70 = arith.addi %multiple_of3A, %add3A_69 : i32
        %get3A_71 = arith.index_cast %add3A_70 : i32 to index
        %get3A_72 = tpu.vector_load %arg11[%get3A_71] {strides = array<i32>} : memref<16384xi32, #tpu.memory_space<vmem>>, vector<16xi32>,
        %min3A_73 = arith.minsi %min3A_68, %get3A_72 : vector<16xi32>
        %add3A_74 = arith.constant 8192 : i32
        %add3A_75 = arith.addi %multiple_of3A, %add3A_74 : i32
        %get3A_76 = arith.index_cast %add3A_75 : i32 to index
        %get3A_77 = tpu.vector_load %arg11[%get3A_76] {strides = array<i32>} : memref<16384xi32, #tpu.memory_space<vmem>>, vector<16xi32>,
        %min3A_78 = arith.minsi %min3A_73, %get3A_77 : vector<16xi32>
        %add3A_79 = arith.constant 9216 : i32
        %add3A_80 = arith.addi %multiple_of3A, %add3A_79 : i32
        %get3A_81 = arith.index_cast %add3A_80 : i32 to index
        %get3A_82 = tpu.vector_load %arg11[%get3A_81] {strides = array<i32>} : memref<16384xi32, #tpu.memory_space<vmem>>, vector<16xi32>,
        %min3A_83 = arith.minsi %min3A_78, %get3A_82 : vector<16xi32>
        %add3A_84 = arith.constant 10240 : i32
        %add3A_85 = arith.addi %multiple_of3A, %add3A_84 : i32
        %get3A_86 = arith.index_cast %add3A_85 : i32 to index
        %get3A_87 = tpu.vector_load %arg11[%get3A_86] {strides = array<i32>} : memref<16384xi32, #tpu.memory_space<vmem>>, vector<16xi32>,
        %min3A_88 = arith.minsi %min3A_83, %get3A_87 : vector<16xi32>
        %add3A_89 = arith.constant 11264 : i32
        %add3A_90 = arith.addi %multiple_of3A, %add3A_89 : i32
        %get3A_91 = arith.index_cast %add3A_90 : i32 to index
        %get3A_92 = tpu.vector_load %arg11[%get3A_91] {strides = array<i32>} : memref<16384xi32, #tpu.memory_space<vmem>>, vector<16xi32>,
        %min3A_93 = arith.minsi %min3A_88, %get3A_92 : vector<16xi32>
        %add3A_94 = arith.constant 12288 : i32
        %add3A_95 = arith.addi %multiple_of3A, %add3A_94 : i32
        %get3A_96 = arith.index_cast %add3A_95 : i32 to index
        %get3A_97 = tpu.vector_load %arg11[%get3A_96] {strides = array<i32>} : memref<16384xi32, #tpu.memory_space<vmem>>, vector<16xi32>,
        %min3A_98 = arith.minsi %min3A_93, %get3A_97 : vector<16xi32>
        %add3A_99 = arith.constant 13312 : i32
        %add3A_100 = arith.addi %multiple_of3A, %add3A_99 : i32
        %get3A_101 = arith.index_cast %add3A_100 : i32 to index
        %get3A_102 = tpu.vector_load %arg11[%get3A_101] {strides = array<i32>} : memref<16384xi32, #tpu.memory_space<vmem>>, vector<16xi32>,
        %min3A_103 = arith.minsi %min3A_98, %get3A_102 : vector<16xi32>
        %add3A_104 = arith.constant 14336 : i32
        %add3A_105 = arith.addi %multiple_of3A, %add3A_104 : i32
        %get3A_106 = arith.index_cast %add3A_105 : i32 to index
        %get3A_107 = tpu.vector_load %arg11[%get3A_106] {strides = array<i32>} : memref<16384xi32, #tpu.memory_space<vmem>>, vector<16xi32>,
        %min3A_108 = arith.minsi %min3A_103, %get3A_107 : vector<16xi32>
        %add3A_109 = arith.constant 15360 : i32
        %add3A_110 = arith.addi %multiple_of3A, %add3A_109 : i32
        %get3A_111 = arith.index_cast %add3A_110 : i32 to index
        %get3A_112 = tpu.vector_load %arg11[%get3A_111] {strides = array<i32>} : memref<16384xi32, #tpu.memory_space<vmem>>, vector<16xi32>,
        %min3A_113 = arith.minsi %min3A_108, %get3A_112 : vector<16xi32>
        %swap3A = arith.index_cast %multiple_of3A : i32 to index
        %swap3A_114 = tpu.vector_load %arg12[%swap3A] {strides = array<i32>} : memref<1024xi32, #tpu.memory_space<vmem>>, vector<16xi32>,
        tpu.vector_store %arg12[%swap3A], %min3A_113 {strides = array<i32>} : memref<1024xi32, #tpu.memory_space<vmem>>, vector<16xi32>,
        %mul3A_115 = arith.constant 32 : i32
        %mul3A_116 = arith.muli %scan3A_35, %mul3A_115 : i32
        %add3A_117 = arith.constant 16 : i32
        %add3A_118 = arith.addi %mul3A_116, %add3A_117 : i32
        %multiple_of3A_119 = tpu.assume_multiple %add3A_118, 16 : i32
        %get3A_120 = arith.index_cast %multiple_of3A_119 : i32 to index
        %get3A_121 = tpu.vector_load %arg11[%get3A_120] {strides = array<i32>} : memref<16384xi32, #tpu.memory_space<vmem>>, vector<16xi32>,
        %add3A_122 = arith.constant 1024 : i32
        %add3A_123 = arith.addi %multiple_of3A_119, %add3A_122 : i32
        %get3A_124 = arith.index_cast %add3A_123 : i32 to index
        %get3A_125 = tpu.vector_load %arg11[%get3A_124] {strides = array<i32>} : memref<16384xi32, #tpu.memory_space<vmem>>, vector<16xi32>,
        %min3A_126 = arith.minsi %get3A_121, %get3A_125 : vector<16xi32>
        %add3A_127 = arith.constant 2048 : i32
        %add3A_128 = arith.addi %multiple_of3A_119, %add3A_127 : i32
        %get3A_129 = arith.index_cast %add3A_128 : i32 to index
        %get3A_130 = tpu.vector_load %arg11[%get3A_129] {strides = array<i32>} : memref<16384xi32, #tpu.memory_space<vmem>>, vector<16xi32>,
        %min3A_131 = arith.minsi %min3A_126, %get3A_130 : vector<16xi32>
        %add3A_132 = arith.constant 3072 : i32
        %add3A_133 = arith.addi %multiple_of3A_119, %add3A_132 : i32
        %get3A_134 = arith.index_cast %add3A_133 : i32 to index
        %get3A_135 = tpu.vector_load %arg11[%get3A_134] {strides = array<i32>} : memref<16384xi32, #tpu.memory_space<vmem>>, vector<16xi32>,
        %min3A_136 = arith.minsi %min3A_131, %get3A_135 : vector<16xi32>
        %add3A_137 = arith.constant 4096 : i32
        %add3A_138 = arith.addi %multiple_of3A_119, %add3A_137 : i32
        %get3A_139 = arith.index_cast %add3A_138 : i32 to index
        %get3A_140 = tpu.vector_load %arg11[%get3A_139] {strides = array<i32>} : memref<16384xi32, #tpu.memory_space<vmem>>, vector<16xi32>,
        %min3A_141 = arith.minsi %min3A_136, %get3A_140 : vector<16xi32>
        %add3A_142 = arith.constant 5120 : i32
        %add3A_143 = arith.addi %multiple_of3A_119, %add3A_142 : i32
        %get3A_144 = arith.index_cast %add3A_143 : i32 to index
        %get3A_145 = tpu.vector_load %arg11[%get3A_144] {strides = array<i32>} : memref<16384xi32, #tpu.memory_space<vmem>>, vector<16xi32>,
        %min3A_146 = arith.minsi %min3A_141, %get3A_145 : vector<16xi32>
        %add3A_147 = arith.constant 6144 : i32
        %add3A_148 = arith.addi %multiple_of3A_119, %add3A_147 : i32
        %get3A_149 = arith.index_cast %add3A_148 : i32 to index
        %get3A_150 = tpu.vector_load %arg11[%get3A_149] {strides = array<i32>} : memref<16384xi32, #tpu.memory_space<vmem>>, vector<16xi32>,
        %min3A_151 = arith.minsi %min3A_146, %get3A_150 : vector<16xi32>
        %add3A_152 = arith.constant 7168 : i32
        %add3A_153 = arith.addi %multiple_of3A_119, %add3A_152 : i32
        %get3A_154 = arith.index_cast %add3A_153 : i32 to index
        %get3A_155 = tpu.vector_load %arg11[%get3A_154] {strides = array<i32>} : memref<16384xi32, #tpu.memory_space<vmem>>, vector<16xi32>,
        %min3A_156 = arith.minsi %min3A_151, %get3A_155 : vector<16xi32>
        %add3A_157 = arith.constant 8192 : i32
        %add3A_158 = arith.addi %multiple_of3A_119, %add3A_157 : i32
        %get3A_159 = arith.index_cast %add3A_158 : i32 to index
        %get3A_160 = tpu.vector_load %arg11[%get3A_159] {strides = array<i32>} : memref<16384xi32, #tpu.memory_space<vmem>>, vector<16xi32>,
        %min3A_161 = arith.minsi %min3A_156, %get3A_160 : vector<16xi32>
        %add3A_162 = arith.constant 9216 : i32
        %add3A_163 = arith.addi %multiple_of3A_119, %add3A_162 : i32
        %get3A_164 = arith.index_cast %add3A_163 : i32 to index
        %get3A_165 = tpu.vector_load %arg11[%get3A_164] {strides = array<i32>} : memref<16384xi32, #tpu.memory_space<vmem>>, vector<16xi32>,
        %min3A_166 = arith.minsi %min3A_161, %get3A_165 : vector<16xi32>
        %add3A_167 = arith.constant 10240 : i32
        %add3A_168 = arith.addi %multiple_of3A_119, %add3A_167 : i32
        %get3A_169 = arith.index_cast %add3A_168 : i32 to index
        %get3A_170 = tpu.vector_load %arg11[%get3A_169] {strides = array<i32>} : memref<16384xi32, #tpu.memory_space<vmem>>, vector<16xi32>,
        %min3A_171 = arith.minsi %min3A_166, %get3A_170 : vector<16xi32>
        %add3A_172 = arith.constant 11264 : i32
        %add3A_173 = arith.addi %multiple_of3A_119, %add3A_172 : i32
        %get3A_174 = arith.index_cast %add3A_173 : i32 to index
        %get3A_175 = tpu.vector_load %arg11[%get3A_174] {strides = array<i32>} : memref<16384xi32, #tpu.memory_space<vmem>>, vector<16xi32>,
        %min3A_176 = arith.minsi %min3A_171, %get3A_175 : vector<16xi32>
        %add3A_177 = arith.constant 12288 : i32
        %add3A_178 = arith.addi %multiple_of3A_119, %add3A_177 : i32
        %get3A_179 = arith.index_cast %add3A_178 : i32 to index
        %get3A_180 = tpu.vector_load %arg11[%get3A_179] {strides = array<i32>} : memref<16384xi32, #tpu.memory_space<vmem>>, vector<16xi32>,
        %min3A_181 = arith.minsi %min3A_176, %get3A_180 : vector<16xi32>
        %add3A_182 = arith.constant 13312 : i32
        %add3A_183 = arith.addi %multiple_of3A_119, %add3A_182 : i32
        %get3A_184 = arith.index_cast %add3A_183 : i32 to index
        %get3A_185 = tpu.vector_load %arg11[%get3A_184] {strides = array<i32>} : memref<16384xi32, #tpu.memory_space<vmem>>, vector<16xi32>,
        %min3A_186 = arith.minsi %min3A_181, %get3A_185 : vector<16xi32>
        %add3A_187 = arith.constant 14336 : i32
        %add3A_188 = arith.addi %multiple_of3A_119, %add3A_187 : i32
        %get3A_189 = arith.index_cast %add3A_188 : i32 to index
        %get3A_190 = tpu.vector_load %arg11[%get3A_189] {strides = array<i32>} : memref<16384xi32, #tpu.memory_space<vmem>>, vector<16xi32>,
        %min3A_191 = arith.minsi %min3A_186, %get3A_190 : vector<16xi32>
        %add3A_192 = arith.constant 15360 : i32
        %add3A_193 = arith.addi %multiple_of3A_119, %add3A_192 : i32
        %get3A_194 = arith.index_cast %add3A_193 : i32 to index
        %get3A_195 = tpu.vector_load %arg11[%get3A_194] {strides = array<i32>} : memref<16384xi32, #tpu.memory_space<vmem>>, vector<16xi32>,
        %min3A_196 = arith.minsi %min3A_191, %get3A_195 : vector<16xi32>
        %swap3A_197 = arith.index_cast %multiple_of3A_119 : i32 to index
        %swap3A_198 = tpu.vector_load %arg12[%swap3A_197] {strides = array<i32>} : memref<1024xi32, #tpu.memory_space<vmem>>, vector<16xi32>,
        tpu.vector_store %arg12[%swap3A_197], %min3A_196 {strides = array<i32>} : memref<1024xi32, #tpu.memory_space<vmem>>, vector<16xi32>,
      }
      %scan3A_28 = arith.constant 32 : i32
      %scan3A_29 = arith.constant 0 : i32
      %scan3A_30 = arith.constant 0 : i32
      %scan3A_31 = arith.constant 16 : i32
      %scan3A_32 = arith.addi %scan3A_30, %scan3A_31 : i32
      %scan3A_33 = arith.constant 1 : i32
      scf.for %scan3A_35 = %scan3A_30 to %scan3A_32 step %scan3A_33  : i32 {
        %mul3A_36 = arith.constant 4 : i32
        %mul3A_37 = arith.muli %scan3A_35, %mul3A_36 : i32
        %add3A = arith.constant 0 : i32
        %add3A_38 = arith.addi %mul3A_37, %add3A : i32
        %mul3A_39 = arith.constant 16 : i32
        %mul3A_40 = arith.muli %add3A_38, %mul3A_39 : i32
        %multiple_of3A = tpu.assume_multiple %mul3A_40, 16 : i32
        %get3A = arith.index_cast %multiple_of3A : i32 to index
        %get3A_41 = tpu.vector_load %arg8[%get3A] {strides = array<i32>} : memref<1024xi32, #tpu.memory_space<vmem>>, vector<16xi32>,
        %gather3A = tpu.vector_load_idx %arg12[%get3A_41] : memref<1024xi32, #tpu.memory_space<vmem>>[vector<16xi32>], vector<16xi32>,
        %mul3A_42 = arith.constant 16 : i32
        %mul3A_43 = arith.muli %add3A_38, %mul3A_42 : i32
        %add3A_44 = vector.broadcast %mul3A_43 : i32 to vector<16xi32>
        %add3A_45 = arith.addi %add3A_44, %iota3A : vector<16xi32>
        %eq3A_46 = arith.cmpi eq, %gather3A, %add3A_45 : vector<16xi32>
        %jit3A = arith.constant -1 : i32
        %broadcast_in_dim3A = vector.broadcast %jit3A : i32 to vector<16xi32>
        %select_n3A = arith.select %eq3A_46, %get3A_41, %broadcast_in_dim3A : vector<16xi1>, vector<16xi32>
        %swap3A = arith.index_cast %multiple_of3A : i32 to index
        %swap3A_47 = tpu.vector_load %arg13[%swap3A] {strides = array<i32>} : memref<1024xi32, #tpu.memory_space<vmem>>, vector<16xi32>,
        tpu.vector_store %arg13[%swap3A], %select_n3A {strides = array<i32>} : memref<1024xi32, #tpu.memory_space<vmem>>, vector<16xi32>,
        %mul3A_48 = arith.constant 4 : i32
        %mul3A_49 = arith.muli %scan3A_35, %mul3A_48 : i32
        %add3A_50 = arith.constant 1 : i32
        %add3A_51 = arith.addi %mul3A_49, %add3A_50 : i32
        %mul3A_52 = arith.constant 16 : i32
        %mul3A_53 = arith.muli %add3A_51, %mul3A_52 : i32
        %multiple_of3A_54 = tpu.assume_multiple %mul3A_53, 16 : i32
        %get3A_55 = arith.index_cast %multiple_of3A_54 : i32 to index
        %get3A_56 = tpu.vector_load %arg8[%get3A_55] {strides = array<i32>} : memref<1024xi32, #tpu.memory_space<vmem>>, vector<16xi32>,
        %gather3A_57 = tpu.vector_load_idx %arg12[%get3A_56] : memref<1024xi32, #tpu.memory_space<vmem>>[vector<16xi32>], vector<16xi32>,
        %mul3A_58 = arith.constant 16 : i32
        %mul3A_59 = arith.muli %add3A_51, %mul3A_58 : i32
        %add3A_60 = vector.broadcast %mul3A_59 : i32 to vector<16xi32>
        %add3A_61 = arith.addi %add3A_60, %iota3A : vector<16xi32>
        %eq3A_62 = arith.cmpi eq, %gather3A_57, %add3A_61 : vector<16xi32>
        %jit3A_63 = arith.constant -1 : i32
        %broadcast_in_dim3A_64 = vector.broadcast %jit3A_63 : i32 to vector<16xi32>
        %select_n3A_65 = arith.select %eq3A_62, %get3A_56, %broadcast_in_dim3A_64 : vector<16xi1>, vector<16xi32>
        %swap3A_66 = arith.index_cast %multiple_of3A_54 : i32 to index
        %swap3A_67 = tpu.vector_load %arg13[%swap3A_66] {strides = array<i32>} : memref<1024xi32, #tpu.memory_space<vmem>>, vector<16xi32>,
        tpu.vector_store %arg13[%swap3A_66], %select_n3A_65 {strides = array<i32>} : memref<1024xi32, #tpu.memory_space<vmem>>, vector<16xi32>,
        %mul3A_68 = arith.constant 4 : i32
        %mul3A_69 = arith.muli %scan3A_35, %mul3A_68 : i32
        %add3A_70 = arith.constant 2 : i32
        %add3A_71 = arith.addi %mul3A_69, %add3A_70 : i32
        %mul3A_72 = arith.constant 16 : i32
        %mul3A_73 = arith.muli %add3A_71, %mul3A_72 : i32
        %multiple_of3A_74 = tpu.assume_multiple %mul3A_73, 16 : i32
        %get3A_75 = arith.index_cast %multiple_of3A_74 : i32 to index
        %get3A_76 = tpu.vector_load %arg8[%get3A_75] {strides = array<i32>} : memref<1024xi32, #tpu.memory_space<vmem>>, vector<16xi32>,
        %gather3A_77 = tpu.vector_load_idx %arg12[%get3A_76] : memref<1024xi32, #tpu.memory_space<vmem>>[vector<16xi32>], vector<16xi32>,
        %mul3A_78 = arith.constant 16 : i32
        %mul3A_79 = arith.muli %add3A_71, %mul3A_78 : i32
        %add3A_80 = vector.broadcast %mul3A_79 : i32 to vector<16xi32>
        %add3A_81 = arith.addi %add3A_80, %iota3A : vector<16xi32>
        %eq3A_82 = arith.cmpi eq, %gather3A_77, %add3A_81 : vector<16xi32>
        %jit3A_83 = arith.constant -1 : i32
        %broadcast_in_dim3A_84 = vector.broadcast %jit3A_83 : i32 to vector<16xi32>
        %select_n3A_85 = arith.select %eq3A_82, %get3A_76, %broadcast_in_dim3A_84 : vector<16xi1>, vector<16xi32>
        %swap3A_86 = arith.index_cast %multiple_of3A_74 : i32 to index
        %swap3A_87 = tpu.vector_load %arg13[%swap3A_86] {strides = array<i32>} : memref<1024xi32, #tpu.memory_space<vmem>>, vector<16xi32>,
        tpu.vector_store %arg13[%swap3A_86], %select_n3A_85 {strides = array<i32>} : memref<1024xi32, #tpu.memory_space<vmem>>, vector<16xi32>,
        %mul3A_88 = arith.constant 4 : i32
        %mul3A_89 = arith.muli %scan3A_35, %mul3A_88 : i32
        %add3A_90 = arith.constant 3 : i32
        %add3A_91 = arith.addi %mul3A_89, %add3A_90 : i32
        %mul3A_92 = arith.constant 16 : i32
        %mul3A_93 = arith.muli %add3A_91, %mul3A_92 : i32
        %multiple_of3A_94 = tpu.assume_multiple %mul3A_93, 16 : i32
        %get3A_95 = arith.index_cast %multiple_of3A_94 : i32 to index
        %get3A_96 = tpu.vector_load %arg8[%get3A_95] {strides = array<i32>} : memref<1024xi32, #tpu.memory_space<vmem>>, vector<16xi32>,
        %gather3A_97 = tpu.vector_load_idx %arg12[%get3A_96] : memref<1024xi32, #tpu.memory_space<vmem>>[vector<16xi32>], vector<16xi32>,
        %mul3A_98 = arith.constant 16 : i32
        %mul3A_99 = arith.muli %add3A_91, %mul3A_98 : i32
        %add3A_100 = vector.broadcast %mul3A_99 : i32 to vector<16xi32>
        %add3A_101 = arith.addi %add3A_100, %iota3A : vector<16xi32>
        %eq3A_102 = arith.cmpi eq, %gather3A_97, %add3A_101 : vector<16xi32>
        %jit3A_103 = arith.constant -1 : i32
        %broadcast_in_dim3A_104 = vector.broadcast %jit3A_103 : i32 to vector<16xi32>
        %select_n3A_105 = arith.select %eq3A_102, %get3A_96, %broadcast_in_dim3A_104 : vector<16xi1>, vector<16xi32>
        %swap3A_106 = arith.index_cast %multiple_of3A_94 : i32 to index
        %swap3A_107 = tpu.vector_load %arg13[%swap3A_106] {strides = array<i32>} : memref<1024xi32, #tpu.memory_space<vmem>>, vector<16xi32>,
        tpu.vector_store %arg13[%swap3A_106], %select_n3A_105 {strides = array<i32>} : memref<1024xi32, #tpu.memory_space<vmem>>, vector<16xi32>,
      }
      %scan3A_34 = arith.constant 16 : i32
      "tpu.region"() ({
        %run_scoped3A = tpu.sem_alloc : memref<!tpu.dma_semaphore, #tpu.memory_space<semaphore_mem>>
        tpu.enqueue_dma source(%arg13 : memref<1024xi32, #tpu.memory_space<vmem>>) target(%arg6 : memref<1024xi32, #tpu.memory_space<hbm>>) target_semaphore(%run_scoped3A : memref<!tpu.dma_semaphore, #tpu.memory_space<semaphore_mem>>)
        tpu.wait_dma2 semaphore(%run_scoped3A : memref<!tpu.dma_semaphore, #tpu.memory_space<semaphore_mem>>) src(%arg13 : memref<1024xi32, #tpu.memory_space<vmem>>) dst(%arg6 : memref<1024xi32, #tpu.memory_space<hbm>>)
        tpu.yield
      }) : () -> ()
    } else {
    }
    return
  }
}

module attributes {stable_mosaic.version = 14 : i64} {
  func.func @_tc_body(%arg0: memref<4x1000xf32, #tpu.memory_space<any>>, %arg1: memref<4x1000xf32, #tpu.memory_space<any>>, %arg2: memref<4x192xf32, #tpu.memory_space<any>>, %arg3: memref<192xf32, #tpu.memory_space<any>>, %arg4: memref<192x192xf32, #tpu.memory_space<any>>, %arg5: memref<192xf32, #tpu.memory_space<any>>, %arg6: memref<192x112xf32, #tpu.memory_space<any>>, %arg7: memref<112xf32, #tpu.memory_space<any>>, %arg8: memref<192x112xf32, #tpu.memory_space<any>>, %arg9: memref<192xf32, #tpu.memory_space<any>>, %arg10: memref<192x112xf32, #tpu.memory_space<any>>, %arg11: memref<112xf32, #tpu.memory_space<any>>, %arg12: memref<112xf32, #tpu.memory_space<any>>, %arg13: memref<1000x1000xf32, #tpu.memory_space<vmem>>, %arg14: memref<1024xf32, #tpu.memory_space<vmem>>, %arg15: memref<1024xi32, #tpu.memory_space<vmem>>, %arg16: memref<4x1000xf32, #tpu.memory_space<vmem>>, %arg17: memref<4x1000xf32, #tpu.memory_space<vmem>>, %arg18: memref<4x192xf32, #tpu.memory_space<vmem>>, %arg19: memref<192xf32, #tpu.memory_space<vmem>>, %arg20: memref<192x192xf32, #tpu.memory_space<vmem>>, %arg21: memref<192xf32, #tpu.memory_space<vmem>>, %arg22: memref<192x112xf32, #tpu.memory_space<vmem>>, %arg23: memref<112xf32, #tpu.memory_space<vmem>>, %arg24: memref<192x112xf32, #tpu.memory_space<vmem>>, %arg25: memref<192xf32, #tpu.memory_space<vmem>>, %arg26: memref<192x112xf32, #tpu.memory_space<vmem>>, %arg27: memref<112xf32, #tpu.memory_space<vmem>>, %arg28: memref<112xf32, #tpu.memory_space<vmem>>, %arg29: memref<!tpu.dma_semaphore, #tpu.memory_space<semaphore_mem>>) attributes {dimension_semantics = [], scalar_prefetch = 0 : i64, scratch_operands = 14 : i64, tpu.core_type = #tpu.core_type<tc>} {
    tpu.enqueue_dma source(%arg0 : memref<4x1000xf32, #tpu.memory_space<any>>) target(%arg16 : memref<4x1000xf32, #tpu.memory_space<vmem>>) target_semaphore(%arg29 : memref<!tpu.dma_semaphore, #tpu.memory_space<semaphore_mem>>)
    tpu.enqueue_dma source(%arg1 : memref<4x1000xf32, #tpu.memory_space<any>>) target(%arg17 : memref<4x1000xf32, #tpu.memory_space<vmem>>) target_semaphore(%arg29 : memref<!tpu.dma_semaphore, #tpu.memory_space<semaphore_mem>>)
    tpu.enqueue_dma source(%arg2 : memref<4x192xf32, #tpu.memory_space<any>>) target(%arg18 : memref<4x192xf32, #tpu.memory_space<vmem>>) target_semaphore(%arg29 : memref<!tpu.dma_semaphore, #tpu.memory_space<semaphore_mem>>)
    tpu.enqueue_dma source(%arg3 : memref<192xf32, #tpu.memory_space<any>>) target(%arg19 : memref<192xf32, #tpu.memory_space<vmem>>) target_semaphore(%arg29 : memref<!tpu.dma_semaphore, #tpu.memory_space<semaphore_mem>>)
    tpu.enqueue_dma source(%arg4 : memref<192x192xf32, #tpu.memory_space<any>>) target(%arg20 : memref<192x192xf32, #tpu.memory_space<vmem>>) target_semaphore(%arg29 : memref<!tpu.dma_semaphore, #tpu.memory_space<semaphore_mem>>)
    tpu.enqueue_dma source(%arg5 : memref<192xf32, #tpu.memory_space<any>>) target(%arg21 : memref<192xf32, #tpu.memory_space<vmem>>) target_semaphore(%arg29 : memref<!tpu.dma_semaphore, #tpu.memory_space<semaphore_mem>>)
    tpu.enqueue_dma source(%arg6 : memref<192x112xf32, #tpu.memory_space<any>>) target(%arg22 : memref<192x112xf32, #tpu.memory_space<vmem>>) target_semaphore(%arg29 : memref<!tpu.dma_semaphore, #tpu.memory_space<semaphore_mem>>)
    tpu.enqueue_dma source(%arg7 : memref<112xf32, #tpu.memory_space<any>>) target(%arg23 : memref<112xf32, #tpu.memory_space<vmem>>) target_semaphore(%arg29 : memref<!tpu.dma_semaphore, #tpu.memory_space<semaphore_mem>>)
    tpu.enqueue_dma source(%arg8 : memref<192x112xf32, #tpu.memory_space<any>>) target(%arg24 : memref<192x112xf32, #tpu.memory_space<vmem>>) target_semaphore(%arg29 : memref<!tpu.dma_semaphore, #tpu.memory_space<semaphore_mem>>)
    tpu.enqueue_dma source(%arg9 : memref<192xf32, #tpu.memory_space<any>>) target(%arg25 : memref<192xf32, #tpu.memory_space<vmem>>) target_semaphore(%arg29 : memref<!tpu.dma_semaphore, #tpu.memory_space<semaphore_mem>>)
    tpu.enqueue_dma source(%arg10 : memref<192x112xf32, #tpu.memory_space<any>>) target(%arg26 : memref<192x112xf32, #tpu.memory_space<vmem>>) target_semaphore(%arg29 : memref<!tpu.dma_semaphore, #tpu.memory_space<semaphore_mem>>)
    tpu.enqueue_dma source(%arg11 : memref<112xf32, #tpu.memory_space<any>>) target(%arg27 : memref<112xf32, #tpu.memory_space<vmem>>) target_semaphore(%arg29 : memref<!tpu.dma_semaphore, #tpu.memory_space<semaphore_mem>>)
    tpu.enqueue_dma source(%arg12 : memref<112xf32, #tpu.memory_space<any>>) target(%arg28 : memref<112xf32, #tpu.memory_space<vmem>>) target_semaphore(%arg29 : memref<!tpu.dma_semaphore, #tpu.memory_space<semaphore_mem>>)
    tpu.wait_dma2 semaphore(%arg29 : memref<!tpu.dma_semaphore, #tpu.memory_space<semaphore_mem>>) src(%arg0 : memref<4x1000xf32, #tpu.memory_space<any>>) dst(%arg16 : memref<4x1000xf32, #tpu.memory_space<vmem>>)
    tpu.wait_dma2 semaphore(%arg29 : memref<!tpu.dma_semaphore, #tpu.memory_space<semaphore_mem>>) src(%arg1 : memref<4x1000xf32, #tpu.memory_space<any>>) dst(%arg17 : memref<4x1000xf32, #tpu.memory_space<vmem>>)
    tpu.wait_dma2 semaphore(%arg29 : memref<!tpu.dma_semaphore, #tpu.memory_space<semaphore_mem>>) src(%arg2 : memref<4x192xf32, #tpu.memory_space<any>>) dst(%arg18 : memref<4x192xf32, #tpu.memory_space<vmem>>)
    tpu.wait_dma2 semaphore(%arg29 : memref<!tpu.dma_semaphore, #tpu.memory_space<semaphore_mem>>) src(%arg3 : memref<192xf32, #tpu.memory_space<any>>) dst(%arg19 : memref<192xf32, #tpu.memory_space<vmem>>)
    tpu.wait_dma2 semaphore(%arg29 : memref<!tpu.dma_semaphore, #tpu.memory_space<semaphore_mem>>) src(%arg4 : memref<192x192xf32, #tpu.memory_space<any>>) dst(%arg20 : memref<192x192xf32, #tpu.memory_space<vmem>>)
    tpu.wait_dma2 semaphore(%arg29 : memref<!tpu.dma_semaphore, #tpu.memory_space<semaphore_mem>>) src(%arg5 : memref<192xf32, #tpu.memory_space<any>>) dst(%arg21 : memref<192xf32, #tpu.memory_space<vmem>>)
    tpu.wait_dma2 semaphore(%arg29 : memref<!tpu.dma_semaphore, #tpu.memory_space<semaphore_mem>>) src(%arg6 : memref<192x112xf32, #tpu.memory_space<any>>) dst(%arg22 : memref<192x112xf32, #tpu.memory_space<vmem>>)
    tpu.wait_dma2 semaphore(%arg29 : memref<!tpu.dma_semaphore, #tpu.memory_space<semaphore_mem>>) src(%arg7 : memref<112xf32, #tpu.memory_space<any>>) dst(%arg23 : memref<112xf32, #tpu.memory_space<vmem>>)
    tpu.wait_dma2 semaphore(%arg29 : memref<!tpu.dma_semaphore, #tpu.memory_space<semaphore_mem>>) src(%arg8 : memref<192x112xf32, #tpu.memory_space<any>>) dst(%arg24 : memref<192x112xf32, #tpu.memory_space<vmem>>)
    tpu.wait_dma2 semaphore(%arg29 : memref<!tpu.dma_semaphore, #tpu.memory_space<semaphore_mem>>) src(%arg9 : memref<192xf32, #tpu.memory_space<any>>) dst(%arg25 : memref<192xf32, #tpu.memory_space<vmem>>)
    tpu.wait_dma2 semaphore(%arg29 : memref<!tpu.dma_semaphore, #tpu.memory_space<semaphore_mem>>) src(%arg10 : memref<192x112xf32, #tpu.memory_space<any>>) dst(%arg26 : memref<192x112xf32, #tpu.memory_space<vmem>>)
    tpu.wait_dma2 semaphore(%arg29 : memref<!tpu.dma_semaphore, #tpu.memory_space<semaphore_mem>>) src(%arg11 : memref<112xf32, #tpu.memory_space<any>>) dst(%arg27 : memref<112xf32, #tpu.memory_space<vmem>>)
    tpu.wait_dma2 semaphore(%arg29 : memref<!tpu.dma_semaphore, #tpu.memory_space<semaphore_mem>>) src(%arg12 : memref<112xf32, #tpu.memory_space<any>>) dst(%arg28 : memref<112xf32, #tpu.memory_space<vmem>>)
    %get3A = arith.constant 0 : index
    %get3A_0 = vector.load %arg19[%get3A] : memref<192xf32, #tpu.memory_space<vmem>>, vector<192xf32>
    %broadcast_in_dim3A = vector.shape_cast %get3A_0 : vector<192xf32> to vector<192x1xf32>
    %get3A_1 = arith.constant 0 : index
    %get3A_2 = vector.load %arg21[%get3A_1] : memref<192xf32, #tpu.memory_space<vmem>>, vector<192xf32>
    %broadcast_in_dim3A_3 = vector.shape_cast %get3A_2 : vector<192xf32> to vector<192x1xf32>
    %get3A_4 = arith.constant 0 : index
    %get3A_5 = vector.load %arg23[%get3A_4] : memref<112xf32, #tpu.memory_space<vmem>>, vector<112xf32>
    %broadcast_in_dim3A_6 = vector.shape_cast %get3A_5 : vector<112xf32> to vector<112x1xf32>
    %get3A_7 = arith.constant 0 : index
    %get3A_8 = vector.load %arg25[%get3A_7] : memref<192xf32, #tpu.memory_space<vmem>>, vector<192xf32>
    %broadcast_in_dim3A_9 = vector.shape_cast %get3A_8 : vector<192xf32> to vector<192x1xf32>
    %get3A_10 = arith.constant 0 : index
    %get3A_11 = vector.load %arg27[%get3A_10] : memref<112xf32, #tpu.memory_space<vmem>>, vector<112xf32>
    %broadcast_in_dim3A_12 = vector.shape_cast %get3A_11 : vector<112xf32> to vector<112x1xf32>
    %get3A_13 = arith.constant 0 : index
    %get3A_14 = arith.constant 0 : index
    %get3A_15 = vector.load %arg16[%get3A_13, %get3A_14] : memref<4x1000xf32, #tpu.memory_space<vmem>>, vector<4x1000xf32>
    %get3A_16 = arith.constant 0 : index
    %get3A_17 = arith.constant 0 : index
    %get3A_18 = vector.load %arg18[%get3A_16, %get3A_17] : memref<4x192xf32, #tpu.memory_space<vmem>>, vector<4x192xf32>
    %dot_general3A = arith.constant dense<0.000000e+00> : vector<192x1000xf32>
    %dot_general3A_19 = tpu.matmul %get3A_18, %get3A_15, %dot_general3A {dimension_numbers = #tpu.dot_dimension_numbers<[0], [0], [1], [1], [0, 1, 1, 1], [], []>, transpose_lhs_hint = false} : vector<4x192xf32>, vector<4x1000xf32>, vector<192x1000xf32> -> vector<192x1000xf32>
    %add3A = vector.broadcast %broadcast_in_dim3A : vector<192x1xf32> to vector<192x1000xf32>
    %add3A_20 = arith.addf %dot_general3A_19, %add3A : vector<192x1000xf32>
    %max3A = arith.constant 0.000000e+00 : f32
    %max3A_21 = vector.broadcast %max3A : f32 to vector<192x1000xf32>
    %max3A_22 = arith.maximumf %add3A_20, %max3A_21 : vector<192x1000xf32>
    %get3A_23 = arith.constant 0 : index
    %get3A_24 = arith.constant 0 : index
    %get3A_25 = vector.load %arg20[%get3A_23, %get3A_24] : memref<192x192xf32, #tpu.memory_space<vmem>>, vector<192x192xf32>
    %dot_general3A_26 = arith.constant dense<0.000000e+00> : vector<192x1000xf32>
    %dot_general3A_27 = tpu.matmul %get3A_25, %max3A_22, %dot_general3A_26 {dimension_numbers = #tpu.dot_dimension_numbers<[1], [0], [0], [1], [0, 0, 1, 1], [], []>, transpose_lhs_hint = false} : vector<192x192xf32>, vector<192x1000xf32>, vector<192x1000xf32> -> vector<192x1000xf32>
    %add3A_28 = vector.broadcast %broadcast_in_dim3A_3 : vector<192x1xf32> to vector<192x1000xf32>
    %add3A_29 = arith.addf %dot_general3A_27, %add3A_28 : vector<192x1000xf32>
    %max3A_30 = arith.constant 0.000000e+00 : f32
    %max3A_31 = vector.broadcast %max3A_30 : f32 to vector<192x1000xf32>
    %max3A_32 = arith.maximumf %add3A_29, %max3A_31 : vector<192x1000xf32>
    %get3A_33 = arith.constant 0 : index
    %get3A_34 = arith.constant 0 : index
    %get3A_35 = vector.load %arg22[%get3A_33, %get3A_34] : memref<192x112xf32, #tpu.memory_space<vmem>>, vector<192x112xf32>
    %dot_general3A_36 = arith.constant dense<0.000000e+00> : vector<112x1000xf32>
    %dot_general3A_37 = tpu.matmul %get3A_35, %max3A_32, %dot_general3A_36 {dimension_numbers = #tpu.dot_dimension_numbers<[0], [0], [1], [1], [0, 1, 1, 1], [], []>, transpose_lhs_hint = false} : vector<192x112xf32>, vector<192x1000xf32>, vector<112x1000xf32> -> vector<112x1000xf32>
    %add3A_38 = vector.broadcast %broadcast_in_dim3A_6 : vector<112x1xf32> to vector<112x1000xf32>
    %add3A_39 = arith.addf %dot_general3A_37, %add3A_38 : vector<112x1000xf32>
    %jit3A = arith.constant 6.28318548 : f32
    %rem3A = vector.broadcast %jit3A : f32 to vector<112x1000xf32>
    %rem3A_40 = arith.remf %add3A_39, %rem3A : vector<112x1000xf32>
    %ne3A = arith.constant 0.000000e+00 : f32
    %ne3A_41 = vector.broadcast %ne3A : f32 to vector<112x1000xf32>
    %ne3A_42 = arith.cmpf one, %rem3A_40, %ne3A_41 : vector<112x1000xf32>
    %lt3A = arith.constant 0.000000e+00 : f32
    %lt3A_43 = vector.broadcast %lt3A : f32 to vector<112x1000xf32>
    %lt3A_44 = arith.cmpf olt, %rem3A_40, %lt3A_43 : vector<112x1000xf32>
    %lt3A_45 = arith.constant 0.000000e+00 : f32
    %lt3A_46 = arith.cmpf olt, %jit3A, %lt3A_45 : f32
    %ne3A_47 = vector.broadcast %lt3A_46 : i1 to vector<112x1000xi1>
    %ne3A_48 = vector.broadcast %ne3A_47 : vector<112x1000xi1> to vector<112x1000xi1>
    %ne3A_49 = arith.xori %lt3A_44, %ne3A_48 : vector<112x1000xi1>
    %and3A = arith.andi %ne3A_49, %ne3A_42 : vector<112x1000xi1>
    %add3A_50 = vector.broadcast %jit3A : f32 to vector<112x1000xf32>
    %add3A_51 = arith.addf %rem3A_40, %add3A_50 : vector<112x1000xf32>
    %select_n3A = arith.select %and3A, %add3A_51, %rem3A_40 : vector<112x1000xi1>, vector<112x1000xf32>
    %get3A_52 = arith.constant 0 : index
    %get3A_53 = arith.constant 0 : index
    %get3A_54 = vector.load %arg17[%get3A_52, %get3A_53] : memref<4x1000xf32, #tpu.memory_space<vmem>>, vector<4x1000xf32>
    %get3A_55 = arith.constant 0 : index
    %get3A_56 = arith.constant 0 : index
    %get3A_57 = vector.load %arg18[%get3A_55, %get3A_56] : memref<4x192xf32, #tpu.memory_space<vmem>>, vector<4x192xf32>
    %dot_general3A_58 = arith.constant dense<0.000000e+00> : vector<192x1000xf32>
    %dot_general3A_59 = tpu.matmul %get3A_57, %get3A_54, %dot_general3A_58 {dimension_numbers = #tpu.dot_dimension_numbers<[0], [0], [1], [1], [0, 1, 1, 1], [], []>, transpose_lhs_hint = false} : vector<4x192xf32>, vector<4x1000xf32>, vector<192x1000xf32> -> vector<192x1000xf32>
    %add3A_60 = vector.broadcast %broadcast_in_dim3A : vector<192x1xf32> to vector<192x1000xf32>
    %add3A_61 = arith.addf %dot_general3A_59, %add3A_60 : vector<192x1000xf32>
    %max3A_62 = arith.constant 0.000000e+00 : f32
    %max3A_63 = vector.broadcast %max3A_62 : f32 to vector<192x1000xf32>
    %max3A_64 = arith.maximumf %add3A_61, %max3A_63 : vector<192x1000xf32>
    %get3A_65 = arith.constant 0 : index
    %get3A_66 = arith.constant 0 : index
    %get3A_67 = vector.load %arg20[%get3A_65, %get3A_66] : memref<192x192xf32, #tpu.memory_space<vmem>>, vector<192x192xf32>
    %dot_general3A_68 = arith.constant dense<0.000000e+00> : vector<192x1000xf32>
    %dot_general3A_69 = tpu.matmul %get3A_67, %max3A_64, %dot_general3A_68 {dimension_numbers = #tpu.dot_dimension_numbers<[1], [0], [0], [1], [0, 0, 1, 1], [], []>, transpose_lhs_hint = false} : vector<192x192xf32>, vector<192x1000xf32>, vector<192x1000xf32> -> vector<192x1000xf32>
    %add3A_70 = vector.broadcast %broadcast_in_dim3A_3 : vector<192x1xf32> to vector<192x1000xf32>
    %add3A_71 = arith.addf %dot_general3A_69, %add3A_70 : vector<192x1000xf32>
    %max3A_72 = arith.constant 0.000000e+00 : f32
    %max3A_73 = vector.broadcast %max3A_72 : f32 to vector<192x1000xf32>
    %max3A_74 = arith.maximumf %add3A_71, %max3A_73 : vector<192x1000xf32>
    %get3A_75 = arith.constant 0 : index
    %get3A_76 = arith.constant 0 : index
    %get3A_77 = vector.load %arg22[%get3A_75, %get3A_76] : memref<192x112xf32, #tpu.memory_space<vmem>>, vector<192x112xf32>
    %dot_general3A_78 = arith.constant dense<0.000000e+00> : vector<112x1000xf32>
    %dot_general3A_79 = tpu.matmul %get3A_77, %max3A_74, %dot_general3A_78 {dimension_numbers = #tpu.dot_dimension_numbers<[0], [0], [1], [1], [0, 1, 1, 1], [], []>, transpose_lhs_hint = false} : vector<192x112xf32>, vector<192x1000xf32>, vector<112x1000xf32> -> vector<112x1000xf32>
    %add3A_80 = vector.broadcast %broadcast_in_dim3A_6 : vector<112x1xf32> to vector<112x1000xf32>
    %add3A_81 = arith.addf %dot_general3A_79, %add3A_80 : vector<112x1000xf32>
    %jit3A_82 = arith.constant 6.28318548 : f32
    %rem3A_83 = vector.broadcast %jit3A_82 : f32 to vector<112x1000xf32>
    %rem3A_84 = arith.remf %add3A_81, %rem3A_83 : vector<112x1000xf32>
    %ne3A_85 = arith.constant 0.000000e+00 : f32
    %ne3A_86 = vector.broadcast %ne3A_85 : f32 to vector<112x1000xf32>
    %ne3A_87 = arith.cmpf one, %rem3A_84, %ne3A_86 : vector<112x1000xf32>
    %lt3A_88 = arith.constant 0.000000e+00 : f32
    %lt3A_89 = vector.broadcast %lt3A_88 : f32 to vector<112x1000xf32>
    %lt3A_90 = arith.cmpf olt, %rem3A_84, %lt3A_89 : vector<112x1000xf32>
    %lt3A_91 = arith.constant 0.000000e+00 : f32
    %lt3A_92 = arith.cmpf olt, %jit3A_82, %lt3A_91 : f32
    %ne3A_93 = vector.broadcast %lt3A_92 : i1 to vector<112x1000xi1>
    %ne3A_94 = vector.broadcast %ne3A_93 : vector<112x1000xi1> to vector<112x1000xi1>
    %ne3A_95 = arith.xori %lt3A_90, %ne3A_94 : vector<112x1000xi1>
    %and3A_96 = arith.andi %ne3A_95, %ne3A_87 : vector<112x1000xi1>
    %add3A_97 = vector.broadcast %jit3A_82 : f32 to vector<112x1000xf32>
    %add3A_98 = arith.addf %rem3A_84, %add3A_97 : vector<112x1000xf32>
    %select_n3A_99 = arith.select %and3A_96, %add3A_98, %rem3A_84 : vector<112x1000xi1>, vector<112x1000xf32>
    %get3A_100 = arith.constant 0 : index
    %get3A_101 = vector.load %arg28[%get3A_100] : memref<112xf32, #tpu.memory_space<vmem>>, vector<112xf32>
    %broadcast_in_dim3A_102 = vector.shape_cast %get3A_101 : vector<112xf32> to vector<112x1xf32>
    %mul3A = arith.constant 0.0628318563 : f32
    %mul3A_103 = vector.broadcast %mul3A : f32 to vector<112x1xf32>
    %mul3A_104 = arith.mulf %broadcast_in_dim3A_102, %mul3A_103 : vector<112x1xf32>
    %add3A_105 = vector.broadcast %mul3A_104 : vector<112x1xf32> to vector<112x1000xf32>
    %add3A_106 = arith.addf %select_n3A, %add3A_105 : vector<112x1000xf32>
    %add3A_107 = vector.broadcast %mul3A_104 : vector<112x1xf32> to vector<112x1000xf32>
    %add3A_108 = arith.addf %add3A_106, %add3A_107 : vector<112x1000xf32>
    %add3A_109 = vector.broadcast %mul3A_104 : vector<112x1xf32> to vector<112x1000xf32>
    %add3A_110 = arith.addf %add3A_108, %add3A_109 : vector<112x1000xf32>
    %add3A_111 = vector.broadcast %mul3A_104 : vector<112x1xf32> to vector<112x1000xf32>
    %add3A_112 = arith.addf %add3A_110, %add3A_111 : vector<112x1000xf32>
    %add3A_113 = vector.broadcast %mul3A_104 : vector<112x1xf32> to vector<112x1000xf32>
    %add3A_114 = arith.addf %add3A_112, %add3A_113 : vector<112x1000xf32>
    %jit3A_115 = arith.constant 6.28318548 : f32
    %rem3A_116 = vector.broadcast %jit3A_115 : f32 to vector<112x1000xf32>
    %rem3A_117 = arith.remf %add3A_114, %rem3A_116 : vector<112x1000xf32>
    %ne3A_118 = arith.constant 0.000000e+00 : f32
    %ne3A_119 = vector.broadcast %ne3A_118 : f32 to vector<112x1000xf32>
    %ne3A_120 = arith.cmpf one, %rem3A_117, %ne3A_119 : vector<112x1000xf32>
    %lt3A_121 = arith.constant 0.000000e+00 : f32
    %lt3A_122 = vector.broadcast %lt3A_121 : f32 to vector<112x1000xf32>
    %lt3A_123 = arith.cmpf olt, %rem3A_117, %lt3A_122 : vector<112x1000xf32>
    %lt3A_124 = arith.constant 0.000000e+00 : f32
    %lt3A_125 = arith.cmpf olt, %jit3A_115, %lt3A_124 : f32
    %ne3A_126 = vector.broadcast %lt3A_125 : i1 to vector<112x1000xi1>
    %ne3A_127 = vector.broadcast %ne3A_126 : vector<112x1000xi1> to vector<112x1000xi1>
    %ne3A_128 = arith.xori %lt3A_123, %ne3A_127 : vector<112x1000xi1>
    %and3A_129 = arith.andi %ne3A_128, %ne3A_120 : vector<112x1000xi1>
    %add3A_130 = vector.broadcast %jit3A_115 : f32 to vector<112x1000xf32>
    %add3A_131 = arith.addf %rem3A_117, %add3A_130 : vector<112x1000xf32>
    %select_n3A_132 = arith.select %and3A_129, %add3A_131, %rem3A_117 : vector<112x1000xi1>, vector<112x1000xf32>
    %get3A_133 = arith.constant 0 : index
    %get3A_134 = arith.constant 0 : index
    %get3A_135 = vector.load %arg24[%get3A_133, %get3A_134] : memref<192x112xf32, #tpu.memory_space<vmem>>, vector<192x112xf32>
    %dot_general3A_136 = arith.constant dense<0.000000e+00> : vector<192x1000xf32>
    %dot_general3A_137 = tpu.matmul %get3A_135, %select_n3A_132, %dot_general3A_136 {dimension_numbers = #tpu.dot_dimension_numbers<[1], [0], [0], [1], [0, 0, 1, 1], [], []>, transpose_lhs_hint = false} : vector<192x112xf32>, vector<112x1000xf32>, vector<192x1000xf32> -> vector<192x1000xf32>
    %add3A_138 = vector.broadcast %broadcast_in_dim3A_9 : vector<192x1xf32> to vector<192x1000xf32>
    %add3A_139 = arith.addf %dot_general3A_137, %add3A_138 : vector<192x1000xf32>
    %max3A_140 = arith.constant 0.000000e+00 : f32
    %max3A_141 = vector.broadcast %max3A_140 : f32 to vector<192x1000xf32>
    %max3A_142 = arith.maximumf %add3A_139, %max3A_141 : vector<192x1000xf32>
    %get3A_143 = arith.constant 0 : index
    %get3A_144 = arith.constant 0 : index
    %get3A_145 = vector.load %arg26[%get3A_143, %get3A_144] : memref<192x112xf32, #tpu.memory_space<vmem>>, vector<192x112xf32>
    %dot_general3A_146 = arith.constant dense<0.000000e+00> : vector<112x1000xf32>
    %dot_general3A_147 = tpu.matmul %get3A_145, %max3A_142, %dot_general3A_146 {dimension_numbers = #tpu.dot_dimension_numbers<[0], [0], [1], [1], [0, 1, 1, 1], [], []>, transpose_lhs_hint = false} : vector<192x112xf32>, vector<192x1000xf32>, vector<112x1000xf32> -> vector<112x1000xf32>
    %add3A_148 = vector.broadcast %broadcast_in_dim3A_12 : vector<112x1xf32> to vector<112x1000xf32>
    %add3A_149 = arith.addf %dot_general3A_147, %add3A_148 : vector<112x1000xf32>
    %mul3A_150 = arith.constant 1.000000e-01 : f32
    %mul3A_151 = vector.broadcast %mul3A_150 : f32 to vector<112x1000xf32>
    %mul3A_152 = arith.mulf %mul3A_151, %add3A_149 : vector<112x1000xf32>
    %add3A_153 = arith.addf %select_n3A_132, %mul3A_152 : vector<112x1000xf32>
    %jit3A_154 = arith.constant 6.28318548 : f32
    %rem3A_155 = vector.broadcast %jit3A_154 : f32 to vector<112x1000xf32>
    %rem3A_156 = arith.remf %add3A_153, %rem3A_155 : vector<112x1000xf32>
    %ne3A_157 = arith.constant 0.000000e+00 : f32
    %ne3A_158 = vector.broadcast %ne3A_157 : f32 to vector<112x1000xf32>
    %ne3A_159 = arith.cmpf one, %rem3A_156, %ne3A_158 : vector<112x1000xf32>
    %lt3A_160 = arith.constant 0.000000e+00 : f32
    %lt3A_161 = vector.broadcast %lt3A_160 : f32 to vector<112x1000xf32>
    %lt3A_162 = arith.cmpf olt, %rem3A_156, %lt3A_161 : vector<112x1000xf32>
    %lt3A_163 = arith.constant 0.000000e+00 : f32
    %lt3A_164 = arith.cmpf olt, %jit3A_154, %lt3A_163 : f32
    %ne3A_165 = vector.broadcast %lt3A_164 : i1 to vector<112x1000xi1>
    %ne3A_166 = vector.broadcast %ne3A_165 : vector<112x1000xi1> to vector<112x1000xi1>
    %ne3A_167 = arith.xori %lt3A_162, %ne3A_166 : vector<112x1000xi1>
    %and3A_168 = arith.andi %ne3A_167, %ne3A_159 : vector<112x1000xi1>
    %add3A_169 = vector.broadcast %jit3A_154 : f32 to vector<112x1000xf32>
    %add3A_170 = arith.addf %rem3A_156, %add3A_169 : vector<112x1000xf32>
    %select_n3A_171 = arith.select %and3A_168, %add3A_170, %rem3A_156 : vector<112x1000xi1>, vector<112x1000xf32>
    %cos3A = math.cos %select_n3A_171 : vector<112x1000xf32>
    %sin3A = math.sin %select_n3A_171 : vector<112x1000xf32>
    %cos3A_172 = math.cos %select_n3A_99 : vector<112x1000xf32>
    %sin3A_173 = math.sin %select_n3A_99 : vector<112x1000xf32>
    %mul3A_174 = arith.mulf %cos3A, %cos3A : vector<112x1000xf32>
    %mul3A_175 = arith.mulf %sin3A, %sin3A : vector<112x1000xf32>
    %add3A_176 = arith.addf %mul3A_174, %mul3A_175 : vector<112x1000xf32>
    %reduce_sum3A = arith.constant dense<0.000000e+00> : vector<1000xf32>
    %reduce_sum3A_177 = vector.multi_reduction <add>, %add3A_176, %reduce_sum3A [0] : vector<112x1000xf32> to vector<1000xf32>
    %broadcast_in_dim3A_178 = vector.shape_cast %reduce_sum3A_177 : vector<1000xf32> to vector<1x1000xf32>
    %sqrt3A = math.sqrt %broadcast_in_dim3A_178 : vector<1x1000xf32>
    %add3A_179 = arith.constant 9.99999993E-9 : f32
    %add3A_180 = vector.broadcast %add3A_179 : f32 to vector<1x1000xf32>
    %add3A_181 = arith.addf %sqrt3A, %add3A_180 : vector<1x1000xf32>
    %mul3A_182 = arith.mulf %cos3A_172, %cos3A_172 : vector<112x1000xf32>
    %mul3A_183 = arith.mulf %sin3A_173, %sin3A_173 : vector<112x1000xf32>
    %add3A_184 = arith.addf %mul3A_182, %mul3A_183 : vector<112x1000xf32>
    %reduce_sum3A_185 = arith.constant dense<0.000000e+00> : vector<1000xf32>
    %reduce_sum3A_186 = vector.multi_reduction <add>, %add3A_184, %reduce_sum3A_185 [0] : vector<112x1000xf32> to vector<1000xf32>
    %broadcast_in_dim3A_187 = vector.shape_cast %reduce_sum3A_186 : vector<1000xf32> to vector<1x1000xf32>
    %sqrt3A_188 = math.sqrt %broadcast_in_dim3A_187 : vector<1x1000xf32>
    %add3A_189 = arith.constant 9.99999993E-9 : f32
    %add3A_190 = vector.broadcast %add3A_189 : f32 to vector<1x1000xf32>
    %add3A_191 = arith.addf %sqrt3A_188, %add3A_190 : vector<1x1000xf32>
    %div3A = vector.broadcast %add3A_181 : vector<1x1000xf32> to vector<112x1000xf32>
    %div3A_192 = arith.divf %cos3A, %div3A : vector<112x1000xf32>
    %div3A_193 = vector.broadcast %add3A_191 : vector<1x1000xf32> to vector<112x1000xf32>
    %div3A_194 = arith.divf %cos3A_172, %div3A_193 : vector<112x1000xf32>
    %dot_general3A_195 = arith.constant dense<0.000000e+00> : vector<1000x1000xf32>
    %dot_general3A_196 = tpu.matmul %div3A_192, %div3A_194, %dot_general3A_195 {dimension_numbers = #tpu.dot_dimension_numbers<[0], [0], [1], [1], [0, 1, 1, 1], [], []>, transpose_lhs_hint = false} : vector<112x1000xf32>, vector<112x1000xf32>, vector<1000x1000xf32> -> vector<1000x1000xf32>
    %div3A_197 = vector.broadcast %add3A_181 : vector<1x1000xf32> to vector<112x1000xf32>
    %div3A_198 = arith.divf %sin3A, %div3A_197 : vector<112x1000xf32>
    %div3A_199 = vector.broadcast %add3A_191 : vector<1x1000xf32> to vector<112x1000xf32>
    %div3A_200 = arith.divf %sin3A_173, %div3A_199 : vector<112x1000xf32>
    %dot_general3A_201 = arith.constant dense<0.000000e+00> : vector<1000x1000xf32>
    %dot_general3A_202 = tpu.matmul %div3A_198, %div3A_200, %dot_general3A_201 {dimension_numbers = #tpu.dot_dimension_numbers<[0], [0], [1], [1], [0, 1, 1, 1], [], []>, transpose_lhs_hint = false} : vector<112x1000xf32>, vector<112x1000xf32>, vector<1000x1000xf32> -> vector<1000x1000xf32>
    %add3A_203 = arith.addf %dot_general3A_196, %dot_general3A_202 : vector<1000x1000xf32>
    %swap3A = arith.constant 0 : index
    %swap3A_204 = arith.constant 0 : index
    %swap3A_205 = vector.load %arg13[%swap3A, %swap3A_204] : memref<1000x1000xf32, #tpu.memory_space<vmem>>, vector<1000x1000xf32>
    tpu.vector_store %arg13[%swap3A, %swap3A_204], %add3A_203 {strides = array<i32>} : memref<1000x1000xf32, #tpu.memory_space<vmem>>, vector<1000x1000xf32>,
    %iota3A = tpu.iota {dimensions = array<i32: 1>} : vector<1x1000xi32>
    %convert_element_type3A = arith.sitofp %iota3A : vector<1x1000xi32> to vector<1x1000xf32>
    %reduce_max3A = arith.constant dense<0xFF800000> : vector<1000xf32>
    %reduce_max3A_206 = vector.multi_reduction <maximumf>, %add3A_203, %reduce_max3A [1] : vector<1000x1000xf32> to vector<1000xf32>
    %broadcast_in_dim3A_207 = vector.shape_cast %reduce_max3A_206 : vector<1000xf32> to vector<1000x1xf32>
    %eq3A = vector.broadcast %broadcast_in_dim3A_207 : vector<1000x1xf32> to vector<1000x1000xf32>
    %eq3A_208 = arith.cmpf oeq, %add3A_203, %eq3A : vector<1000x1000xf32>
    %jit3A_209 = arith.constant 3.000000e+38 : f32
    %broadcast_in_dim3A_210 = vector.shape_cast %convert_element_type3A : vector<1x1000xf32> to vector<1x1000xf32>
    %broadcast_in_dim3A_211 = vector.broadcast %broadcast_in_dim3A_210 : vector<1x1000xf32> to vector<1000x1000xf32>
    %broadcast_in_dim3A_212 = vector.broadcast %jit3A_209 : f32 to vector<1000x1000xf32>
    %select_n3A_213 = arith.select %eq3A_208, %broadcast_in_dim3A_211, %broadcast_in_dim3A_212 : vector<1000x1000xi1>, vector<1000x1000xf32>
    %reduce_min3A = arith.constant dense<0x7F800000> : vector<1000xf32>
    %reduce_min3A_214 = vector.multi_reduction <minimumf>, %select_n3A_213, %reduce_min3A [1] : vector<1000x1000xf32> to vector<1000xf32>
    %broadcast_in_dim3A_215 = vector.shape_cast %reduce_min3A_214 : vector<1000xf32> to vector<1000x1xf32>
    %convert_element_type3A_216 = arith.fptosi %broadcast_in_dim3A_215 : vector<1000x1xf32> to vector<1000x1xi32>
    %squeeze3A = vector.shape_cast %broadcast_in_dim3A_207 : vector<1000x1xf32> to vector<1000xf32>
    %swap3A_217 = arith.constant 0 : index
    %swap3A_218 = vector.load %arg14[%swap3A_217] : memref<1024xf32, #tpu.memory_space<vmem>>, vector<1000xf32>
    tpu.vector_store %arg14[%swap3A_217], %squeeze3A {strides = array<i32>} : memref<1024xf32, #tpu.memory_space<vmem>>, vector<1000xf32>,
    %broadcast_in_dim3A_219 = arith.constant -3.000000e+38 : f32
    %broadcast_in_dim3A_220 = vector.broadcast %broadcast_in_dim3A_219 : f32 to vector<24xf32>
    %swap3A_221 = arith.constant 1000 : index
    %swap3A_222 = vector.load %arg14[%swap3A_221] : memref<1024xf32, #tpu.memory_space<vmem>>, vector<24xf32>
    tpu.vector_store %arg14[%swap3A_221], %broadcast_in_dim3A_220 {strides = array<i32>} : memref<1024xf32, #tpu.memory_space<vmem>>, vector<24xf32>,
    %squeeze3A_223 = vector.shape_cast %convert_element_type3A_216 : vector<1000x1xi32> to vector<1000xi32>
    %swap3A_224 = arith.constant 0 : index
    %swap3A_225 = vector.load %arg15[%swap3A_224] : memref<1024xi32, #tpu.memory_space<vmem>>, vector<1000xi32>
    tpu.vector_store %arg15[%swap3A_224], %squeeze3A_223 {strides = array<i32>} : memref<1024xi32, #tpu.memory_space<vmem>>, vector<1000xi32>,
    %broadcast_in_dim3A_226 = arith.constant 0 : i32
    %broadcast_in_dim3A_227 = vector.broadcast %broadcast_in_dim3A_226 : i32 to vector<24xi32>
    %swap3A_228 = arith.constant 1000 : index
    %swap3A_229 = vector.load %arg15[%swap3A_228] : memref<1024xi32, #tpu.memory_space<vmem>>, vector<24xi32>
    tpu.vector_store %arg15[%swap3A_228], %broadcast_in_dim3A_227 {strides = array<i32>} : memref<1024xi32, #tpu.memory_space<vmem>>, vector<24xi32>,
    return
  }
}

</mosaic_0001>

<sc_bundles>
// kernel: kernel.4.cloned.1.call-start
scs
__scs_entry_jumppad:
0x0: {  	(pc) =	sbr.rel $0x88, $3  }
0x1: {  	(tag) =	ssettag $0x0;
	lr =	simm.s32 $0x1  }
0x2: {  	[smem:$0x3F94] =	sst lr;
	_ =	strace $0xD0000000  }
0x3: {  	_ = 	snop  }
0x4: {  	_ = 	snop  }
0x5: {  	_ = 	snop  }
0x6: {  	_ = 	snop  }
0x7: {  	_ = 	snop  }
__scs_overlays_trampoline_lowered:
0x8: {  	[smem:$0x3FA3] =	sst s0  }
0x9: {  	[smem:$0x3FA4] =	sst s1  }
0xa: {  	[smem:$0x3FA5] =	sst s2  }
0xb: {  	[smem:$0x3FA6] =	sst s3  }
0xc: {  	[smem:$0x3FA7] =	sst s4  }
0xd: {  	[smem:$0x3FA8] =	sst s5  }
0xe: {  	[smem:$0x3FA9] =	sst s6  }
0xf: {  	[smem:$0x3FAA] =	sst s7  }
0x10: {  	[smem:$0x3FAB] =	sst s8  }
0x11: {  	[smem:$0x3FAC] =	sst s9;
	s0 =	simm.s32 @!p0 $0x0  }
0x12: {  	s1 =	sld [smem:$0x3F92];
	s0 =	simm.s32 @p0 $0x1  }
0x13: {  	[smem:$0x3FAD] =	sst s0;
	s0 =	simm.s32 @!p1 $0x0  }
0x14: {  	s2 =	sld [smem:$0x3F91];
	s0 =	simm.s32 @p1 $0x1  }
0x15: {  	[smem:$0x3FAE] =	sst s0;
	s0 =	simm.s32 @!p2 $0x0  }
0x16: {  	s3 =	sld [smem:$0x3FDB];
	s0 =	simm.s32 @p2 $0x1  }
0x17: {  	s4 =	simm.s32 $0x1BF5;
	[smem:$0x3FB0] =	sst s0  }
0x18: {  	s0 =	sld [smem:$0x3F93];
	_ =	swait.ge [sflag:s4], $0x0  }
0x19: {  	s7 =	sld [smem:$0x3F94]  }
0x1a: {  	s8 =	sadd.s32 $0xFFFFE003, lr  }
0x1b: {  	s9 =	sadd.s32 $0xFFFFFEF7, lr;
	s5 =	simm.s32 $0xFFFFFFFF;
	p2 =	slt.u32 s8, $0xFFFFF086  }
0x1c: {  	p1 =	slt.u32 s9, $0xF7A;
	s5 =	simm.s32 @!p2 $0x0  }
0x1d: {  	s5 =	simm.s32 @p1 $0x1;
	p0 =	seq.s32 s7, s2  }
0x1e: {  	s7 =	smul.u32 @!p0 $0xF7A, s2;
	p2 =	seq.s32 @!p0 s5, $0x0  }
0x1f: {  	s9 =	smul.u32 $0xF7A, s1;
	s8 =	simm.s32 @!p0 $0x1BF5;
	p2 =	por !p2, p0  }
0x20: {  	[sflag:s8] =	ssyncset.s32 @!p0 $0xFFFFF086;
	s6 =	sadd.s32 @!p0 s3, s7;
	s7 =	simm.s32 @!p0 $0x108  }
0x21: {  	s3 =	sadd.s32 s3, s9;
	s6 =	sadd.s32 @!p0 $0x88, s6;
	s7 =	simm.s32 @p2 $0x1082  }
0x22: {  	[simem:s7], [sflag:s8] =	dma.local @!p0 [hbm:s6], $0xF7A  }
0x23: {  	s9 =	sor.u32 $0xD0000000, s2;
	s6 =	simm.s32 $0x108;
	_ =	swait.ge @!p0 [sflag:s8], $0x0  }
0x24: {  	s3 =	sadd.s32 $0x88, s3;
	s6 =	simm.s32 @!p1 $0x1082;
	[sflag:s4] =	ssyncset.s32 $0xFFFFF086  }
0x25: {  	[simem:s6], [sflag:s4] =	dma.local [hbm:s3], $0xF7A  }
0x26: {  	[smem:$0x3F94] =	sst s1;
	(tag) =	ssettag s2;
	_ =	strace s9  }
0x27: {  	s1 =	sld [smem:$0x3FA4]  }
0x28: {  	s2 =	sld [smem:$0x3FA5]  }
0x29: {  	s4 =	sld [smem:$0x3FA7]  }
0x2a: {  	p0 =	seq.s32 s5, $0x0;
	s5 =	sld [smem:$0x3FA8]  }
0x2b: {  	s6 =	sld [smem:$0x3FA9]  }
0x2c: {  	s7 =	sld [smem:$0x3FAA]  }
0x2d: {  	s3 =	simm.s32 $0x108;
	s8 =	sld [smem:$0x3FAB]  }
0x2e: {  	s3 =	simm.s32 @!p0 $0x1082;
	s9 =	sld [smem:$0x3FAC]  }
0x2f: {  	lr =	sadd.s32 s0, s3;
	s0 =	sld [smem:$0x3FA3]  }
0x30: {  	s3 =	sld [smem:$0x3FA6]  }
0x31: {  	[smem:$0x3FAF] =	sst s10  }
0x32: {  	s10 =	sld [smem:$0x3FAD];
	_ =	sdelay $0x3  }
0x33: {  	p0 =	seq.s32 s10, $0x1;
	s10 =	sld [smem:$0x3FAF];
	_ =	sdelay $0x3  }
0x34: {  	[smem:$0x3FAF] =	sst s10  }
0x35: {  	s10 =	sld [smem:$0x3FAE];
	_ =	sdelay $0x3  }
0x36: {  	p1 =	seq.s32 s10, $0x1;
	s10 =	sld [smem:$0x3FAF];
	_ =	sdelay $0x3  }
0x37: {  	[smem:$0x3FAF] =	sst s10  }
0x38: {  	s10 =	sld [smem:$0x3FB0]  }
0x39: {  	_ = 	snop;
	(pc) =	sbr.ind lr, $3  }
0x3a: {  	_ = 	snop  }
0x3b: {  	_ = 	snop  }
0x3c: {  	p2 =	seq.s32 s10, $0x1;
	s10 =	sld [smem:$0x3FAF]  }
0x3d: {  	_ =	shalt  }
0x3e: {  	_ =	shalt  }
0x3f: {  	_ =	shalt  }
0x40: {  	_ =	shalt  }
0x41: {  	_ =	shalt  }
0x42: {  	_ =	shalt  }
0x43: {  	_ =	shalt  }
0x44: {  	_ =	shalt  }
0x45: {  	_ =	shalt  }
0x46: {  	_ =	shalt  }
0x47: {  	_ =	shalt  }
0x48: {  	_ =	shalt  }
0x49: {  	_ =	shalt  }
0x4a: {  	_ =	shalt  }
0x4b: {  	_ =	shalt  }
0x4c: {  	_ =	shalt  }
0x4d: {  	_ =	shalt  }
0x4e: {  	_ =	shalt  }
0x4f: {  	_ =	shalt  }
0x50: {  	_ =	shalt  }
0x51: {  	_ =	shalt  }
0x52: {  	_ =	shalt  }
0x53: {  	_ =	shalt  }
0x54: {  	_ =	shalt  }
0x55: {  	_ =	shalt  }
0x56: {  	_ =	shalt  }
0x57: {  	_ =	shalt  }
0x58: {  	_ =	shalt  }
0x59: {  	_ =	shalt  }
0x5a: {  	_ =	shalt  }
0x5b: {  	_ =	shalt  }
0x5c: {  	_ =	shalt  }
0x5d: {  	_ =	shalt  }
0x5e: {  	_ =	shalt  }
0x5f: {  	_ =	shalt  }
0x60: {  	_ =	shalt  }
0x61: {  	_ =	shalt  }
0x62: {  	_ =	shalt  }
0x63: {  	_ =	shalt  }
0x64: {  	_ =	shalt  }
0x65: {  	_ =	shalt  }
0x66: {  	_ =	shalt  }
0x67: {  	_ =	shalt  }
0x68: {  	_ =	shalt  }
0x69: {  	_ =	shalt  }
0x6a: {  	_ =	shalt  }
0x6b: {  	_ =	shalt  }
0x6c: {  	_ =	shalt  }
0x6d: {  	_ =	shalt  }
0x6e: {  	_ =	shalt  }
0x6f: {  	_ =	shalt  }
0x70: {  	_ =	shalt  }
0x71: {  	_ =	shalt  }
0x72: {  	_ =	shalt  }
0x73: {  	_ =	shalt  }
0x74: {  	_ =	shalt  }
0x75: {  	_ =	shalt  }
0x76: {  	_ =	shalt  }
0x77: {  	_ =	shalt  }
0x78: {  	_ =	shalt  }
0x79: {  	_ =	shalt  }
0x7a: {  	_ =	shalt  }
0x7b: {  	_ =	shalt  }
0x7c: {  	_ =	shalt  }
0x7d: {  	_ =	shalt  }
0x7e: {  	_ =	shalt  }
0x7f: {  	_ =	shalt  }
0x80: {  	_ =	shalt  }
0x81: {  	_ =	shalt  }
0x82: {  	_ =	shalt  }
0x83: {  	_ =	shalt  }
0x84: {  	_ =	shalt  }
0x85: {  	_ =	shalt  }
0x86: {  	_ =	shalt  }
0x87: {  	_ =	shalt  }
.Lfunc_end0:
.L_simem_size_0:
called_computation_lowered:
.L_overlay_start_0:
0x88: {  	s2 =	sld [smem:$0x3FD9]  }
0x89: {  	s3 =	sld [smem:$0x3FFE];
	_ =	sdelay $0x1  }
0x8a: {  	s1 =	srdreg.scid  }
0x8b: {  	s0 =	sand.u32 $0x1, s1  }
0x8c: {  	s14 =	sshll.u32 s0, $0xA;
	s2 =	sadd.s32 s3, s2  }
0x8d: {  	s2 =	sadd.s32 s2, s14  }
0x8e: {  	[smem:$0x3FBB] =	sst s2  }
0x8f: {  	_ = 	snop  }
0x90: {  	s2 =	sld [smem:$0x3FD0];
	_ =	sdelay $0x2  }
0x91: {  	s15 =	simm.s32 $0xA;
	s4 =	simm.s32 $0x10  }
0x92: {  	[smem:s4], [sflag:s15] =	dma.local [hbm:s2], $0x1  }
0x93: {  	_ =	swait.eq [sflag:s15], $0x1  }
0x94: {  	[sflag:s15] =	ssyncset.done $0x0  }
0x95: {  	[sflag:s15] =	ssyncadd.s32 $0xFFFFFFFF  }
0x96: {  	s16 =	sld [smem:$0x10];
	(tm) =	ssettm $0x1  }
0x97: {  	s17 =	sld [smem:$0x3FFB];
	_ =	sdelay $0x3  }
0x98: {  	_ =	strace s17  }
0x99: {  	s3 =	sld [smem:$0x3FFC];
	_ =	sdelay $0x3  }
0x9a: {  	_ =	strace s3  }
0x9b: {  	s3 =	sld [smem:$0x3FFD];
	_ =	sdelay $0x3  }
0x9c: {  	_ =	strace s3  }
0x9d: {  	_ =	strace $0x8FFFFFFF  }
0x9e: {  	s18 =	sld [smem:$0x3FDB];
	_ =	sdelay $0x1  }
0x9f: {  	s19 =	simm.s32 $_scs_section_size  }
0xa0: {  	s5 =	simm.s32 $_size__tile_overlayer_lowered;
	s6 =	simm.s32 $_tile_overlayer_lowered  }
0xa1: {  	s22 =	simm.s32 $0x1BFF;
	s21 =	sshll.u32 s6, $0x1;
	s3 =	sadd.s32 s19, s18  }
0xa2: {  	s7 =	simm.s32 $0x0;
	s20 =	sshll.u32 s5, $0x1;
	s5 =	sadd.s32 s21, s3  }
0xa3: {  	[timem:s7], [sflag:s22] =	dma.local [hbm:s5], s20  }
0xa4: {  	_ =	swait.ge [sflag:s22], s20  }
0xa5: {  	s4 =	ssub.s32 $0x0, s20;
	[sflag:s22] =	ssyncset.done $0x0  }
0xa6: {  	[sflag:s22] =	ssyncadd.s32 s4;
	_ =	sdelay $0x1  }
0xa7: {  	s23 =	simm.s32 $0x1B8B  }
0xa8: {  	_ =	swait.ge [sflag:s23], $0x1  }
0xa9: {  	[sflag:s23] =	ssyncset.done $0x0  }
0xaa: {  	s25 =	simm.s32 $0x1B8E;
	s24 =	sld [smem:$0x3FFE];
	[sflag:s23] =	ssyncadd.s32 $0xFFFFFFFF  }
0xab: {  	s26 =	simm.s32 $execute0_lowered;
	[smem:$0x3FD2] =	sst s25  }
0xac: {  	s5 =	sshll.u32 s26, $0x1;
	_ =	strace $0x80000046;
	[dreg:$0x1] =	wrdreg $0xFFFFFFFF  }
0xad: {  	s28 =	simm.s32 $_size_execute0_lowered;
	s3 =	sadd.s32 s3, s5;
	[dreg:$0x0] =	wrdreg $0x0  }
0xae: {  	s5 =	sshll.u32 s28, $0x1;
	[dreg:$0x2] =	wrdreg s3  }
0xaf: {  	[dreg:$0x3] =	wrdreg s5  }
0xb0: {  	[dreg:$0x4] =	wrdreg $0xC0  }
0xb1: {  	_ =	task [dreg:s7], $0x5FFFF  }
0xb2: {  	[dreg:$0x1] =	wrdreg $0xFFFFFFFF  }
0xb3: {  	[dreg:$0x0] =	wrdreg $0x60  }
0xb4: {  	[dreg:$0x2] =	wrdreg s24  }
0xb5: {  	[dreg:$0x3] =	wrdreg s16  }
0xb6: {  	[dreg:$0x4] =	wrdreg $0x9  }
0xb7: {  	_ =	task.clear_ibuf [dreg:s7], $0x5FFFF;
	_ =	strace $0x90000046  }
0xb8: {  	s29 =	simm.s32 $0x9;
	_ =	strace $0x80000048  }
0xb9: {  	_ =	swait.ge [sflag:s29], $0x1  }
0xba: {  	[sflag:s29] =	ssyncadd.s32 $0xFFFFFFFF  }
0xbb: {  	_ =	strace $0x90000048  }
0xbc: {  	_ =	sfence  }
0xbd: {  	s30 =	sld [smem:$0x0];
	_ =	sdelay $0x2  }
0xbe: {  	s31 =	sshll.u32 s1, $0xD;
	s1 =	sshrl.u32 s1, $0x2  }
0xbf: {  	s3 =	sand.u32 $0x4000, s31;
	s1 =	sadd.s32 s1, s30  }
0xc0: {  	s0 =	sor.u32 s3, s0;
	s1 =	sshll.u32 s1, $0x11  }
0xc1: {  	s0 =	sor.u32 s1, s0  }
0xc2: {  	s0 =	sadd.s32 $0x8F2B, s0  }
0xc3: {  	[sflag:s0] =	ssyncadd.remote.s32 $0x1  }
0xc4: {  	_ =	sfence.sel $0xFFFF  }
0xc5: {  	[dreg:$0x0] =	wrdreg $0xFFFFFFFF;
	(pc) =	sbr.abs _section_cstart, $3  }
0xc6: {  	[dreg:$0x1] =	wrdreg $0xFFFFFFFF  }
0xc7: {  	_ =	task.clear_ibuf [dreg:s7], $0x2FFFF;
	_ =	strace $0x9FFFFFFF  }
0xc8: {  	(tm) =	ssettm $0x7FFFFFFF  }
0xc9: {  	_ =	shalt  }
tec
execute0_lowered:
.L_overlay_start_1:
0x0: {  	(tag) =	ssettag $0x1  }
0x1: {  	s0 =	srdreg.scid  }
0x2: {  	s4 =	sand.u32 $0x1, s0;
	s0 =	stileid.u32  }
0x3: {  	s3 =	sor.u32 s0, s4  }
0x4: {  	p0 =	sne.s32 s3, $0x0  }
.Ltmp0:
0x5: {  	_ = 	snop;
	(pc) =	sbr.rel @p0 .LBB2_13-.Ltmp0, $4  }
0x6: {  	_ = 	snop  }
0x7: {  	s6 =	rddreg [dreg:$0x0]  }
0x8: {  	s2 =	rddreg [dreg:$0x1]  }
0x9: {  	s1 =	rddreg [dreg:$0x2];
	_ =	strace $0x80000047  }
0xa: {  	s3 =	sadd.s32 $0x2400, s6;
	s7 =	ssub.s32 $0x2, s4  }
0xb: {  	s4 =	sadd.s32 $0x2600, s6;
	s5 =	sadd.s32 $0x3000, s6;
	s6 =	sadd.s32 $0x2800, s6  }
0xc: {  	s9 =	simm.s32 $0x400;
	s10 =	simm.s32 $0x800;
	s11 =	simm.s32 $0x4C00  }
0xd: {  	s12 =	simm.s32 $0x1;
	s13 =	simm.s32 $0x4800;
	s14 =	simm.s32 $0x8C00  }
0xe: {  	v0 =	vlaneseq.u32;
	s15 =	simm.s32 $0x9000;
	s16 =	simm.s32 $0x2;
	s8 =	sshrl.u32 s7, $0x1  }
0xf: {  	s17 =	simm.s32 $0x0;
	v1 =	vmul.u32 $0x400, v0;
	s7 =	ssub.s32 s7, s8;
	s8 =	simm.s32 $0x0  }
.LBB2_2:
0x10: {  	[tilespmem:s8], [sflag:$0x1] =	stream.linear.gather [hbm4b:s3+s8], $0x400, $0x38;
	[tilespmem:$0x9400] =	vst v63  }
0x11: {  	_ = 	snop  }
0x12: {  	[tilespmem:s9], [sflag:$0x1] =	stream.linear.gather [hbm4b:s4+s8], $0x400, $0x38;
	[tilespmem:$0x9400] =	vst v63  }
0x13: {  	_ = 	snop  }
0x14: {  	[tilespmem:s10], [sflag:$0x1] =	stream.linear.gather [hbm4b:s5+s8], $0x4000, $0x38;
	[tilespmem:$0x9400] =	vst v63  }
0x15: {  	_ = 	snop  }
0x16: {  	[tilespmem:s11], [sflag:$0x1] =	stream.linear.gather [hbm4b:s6+s8], $0x4000, $0x38;
	[tilespmem:$0x9400] =	vst v63  }
0x17: {  	_ =	swait.ge [sflag:s12], $0x400  }
0x18: {  	[sflag:s12] =	ssyncset.done $0x0  }
0x19: {  	[sflag:s12] =	ssyncadd.s32 $0xFFFFFC00  }
0x1a: {  	_ =	swait.ge [sflag:s12], $0x400  }
0x1b: {  	[sflag:s12] =	ssyncset.done $0x0  }
0x1c: {  	[sflag:s12] =	ssyncadd.s32 $0xFFFFFC00  }
0x1d: {  	_ =	swait.ge [sflag:s12], $0x4000  }
0x1e: {  	[sflag:s12] =	ssyncset.done $0x0  }
0x1f: {  	[sflag:s12] =	ssyncadd.s32 $0xFFFFC000  }
0x20: {  	_ =	swait.ge [sflag:s12], $0x4000  }
0x21: {  	[sflag:s12] =	ssyncset.done $0x0  }
0x22: {  	s18 =	simm.s32 $0x0;
	[sflag:s12] =	ssyncadd.s32 $0xFFFFC000  }
.LBB2_3:
0x23: {  	s19 =	sshra.s32 s18, $0x2  }
0x24: {  	v2 =	vld [tilespmem:s19+$0x400];
	_ =	sdelay $0x4  }
0x25: {  	v2 =	vadd.s32 v1, v2;
	_ =	sdelay $0x3  }
0x26: {  	v3 =	vld [tilespmem:s19+$0x0]  }
0x27: {  	v4 =	vld.idx.msk [tilespmem:v2+s10+$0x0], $0xffff;
	_ =	sdelay $0x4  }
0x28: {  	v3 =	vmax.f32 v4, v3  }
0x29: {  	[tilespmem:v2+s10+$0x0] =	vst.idx.msk $0xffff, v3  }
0x2a: {  	v2 =	vld [tilespmem:s19+$0x410];
	_ =	sdelay $0x4  }
0x2b: {  	v2 =	vadd.s32 v1, v2;
	_ =	sdelay $0x3  }
0x2c: {  	v3 =	vld [tilespmem:s19+$0x10]  }
0x2d: {  	v61 =	vld.idx.msk [tilespmem:v2+s10+$0x0], $0xffff;
	_ =	sdelay $0x4  }
0x2e: {  	v3 =	vmax.f32 v61, v3  }
0x2f: {  	[tilespmem:v2+s10+$0x0] =	vst.idx.msk $0xffff, v3  }
0x30: {  	v2 =	vld [tilespmem:s19+$0x420];
	_ =	sdelay $0x4  }
0x31: {  	v2 =	vadd.s32 v1, v2;
	_ =	sdelay $0x3  }
0x32: {  	v3 =	vld [tilespmem:s19+$0x20]  }
0x33: {  	v62 =	vld.idx.msk [tilespmem:v2+s10+$0x0], $0xffff;
	_ =	sdelay $0x4  }
0x34: {  	v3 =	vmax.f32 v62, v3  }
0x35: {  	[tilespmem:v2+s10+$0x0] =	vst.idx.msk $0xffff, v3  }
0x36: {  	v2 =	vld [tilespmem:s19+$0x430];
	_ =	sdelay $0x4  }
0x37: {  	v2 =	vadd.s32 v1, v2;
	_ =	sdelay $0x3  }
0x38: {  	v3 =	vld [tilespmem:s19+$0x30]  }
0x39: {  	v63 =	vld.idx.msk [tilespmem:v2+s10+$0x0], $0xffff  }
0x3a: {  	p0 =	sne.s32 s18, $0xF00  }
.Ltmp1:
0x3b: {  	_ = 	snop;
	(pc) =	sbr.rel @p0 .LBB2_3-.Ltmp1, $3  }
0x3c: {  	_ =	sdelay $0x1  }
0x3d: {  	v3 =	vmax.f32 v63, v3  }
0x3e: {  	s18 =	sadd.s32 $0x100, s18;
	[tilespmem:v2+s10+$0x0] =	vst.idx.msk $0xffff, v3  }
0x3f: {  	s18 =	simm.s32 $0x0  }
0x40: {  	s19 =	simm.s32 $0x2810;
	s20 =	simm.s32 $0x4810;
	s21 =	simm.s32 $0x0  }
.LBB2_5:
0x41: {  	v2 =	vld [tilespmem:s19+$0xFFFFDFF0];
	s22 =	sand.u32 $0x3E0, s21  }
0x42: {  	v3 =	vld [tilespmem:s22+$0xC00]  }
0x43: {  	v4 =	vld [tilespmem:s22+$0x1000]  }
0x44: {  	v5 =	vld [tilespmem:s22+$0x1400]  }
0x45: {  	v6 =	vld [tilespmem:s22+$0x1800]  }
0x46: {  	v7 =	vld [tilespmem:s22+$0x1C00]  }
0x47: {  	v2 =	vmax.f32 v2, v3;
	v3 =	vld [tilespmem:s22+$0x2000]  }
0x48: {  	v44 =	vld [tilespmem:s22+$0x2400];
	v2 =	vmax.f32 v2, v4  }
0x49: {  	v45 =	vld [tilespmem:s22+$0x2800];
	v2 =	vmax.f32 v2, v5  }
0x4a: {  	v46 =	vld [tilespmem:s22+$0x2C00];
	v2 =	vmax.f32 v2, v6  }
0x4b: {  	v47 =	vld [tilespmem:s22+$0x3000];
	v2 =	vmax.f32 v2, v7  }
0x4c: {  	v2 =	vmax.f32 v2, v3;
	v3 =	vld [tilespmem:s22+$0x3400]  }
0x4d: {  	v48 =	vld [tilespmem:s22+$0x3800];
	v2 =	vmax.f32 v2, v44  }
0x4e: {  	v49 =	vld [tilespmem:s22+$0x3C00];
	v2 =	vmax.f32 v2, v45  }
0x4f: {  	v50 =	vld [tilespmem:s22+$0x4000];
	v2 =	vmax.f32 v2, v46  }
0x50: {  	v51 =	vld [tilespmem:s22+$0x4400];
	v2 =	vmax.f32 v2, v47  }
0x51: {  	v2 =	vmax.f32 v2, v3  }
0x52: {  	v2 =	vmax.f32 v2, v48  }
0x53: {  	v2 =	vmax.f32 v2, v49  }
0x54: {  	v2 =	vmax.f32 v2, v50  }
0x55: {  	v2 =	vmax.f32 v2, v51  }
0x56: {  	[tilespmem:s20+$0xFFFFFFF0] =	vst v2  }
0x57: {  	v2 =	vld [tilespmem:s19+$0xFFFFE000]  }
0x58: {  	v3 =	vld [tilespmem:s19+$0xFFFFE400]  }
0x59: {  	v52 =	vld [tilespmem:s19+$0xFFFFE800]  }
0x5a: {  	v53 =	vld [tilespmem:s19+$0xFFFFEC00]  }
0x5b: {  	v54 =	vld [tilespmem:s19+$0xFFFFF000]  }
0x5c: {  	v55 =	vld [tilespmem:s19+$0xFFFFF400]  }
0x5d: {  	v2 =	vmax.f32 v2, v3;
	v3 =	vld [tilespmem:s19+$0xFFFFF800]  }
0x5e: {  	v56 =	vld [tilespmem:s19+$0xFFFFFC00];
	v2 =	vmax.f32 v2, v52  }
0x5f: {  	v57 =	vld [tilespmem:s19+$0x0];
	v2 =	vmax.f32 v2, v53  }
0x60: {  	v58 =	vld [tilespmem:s19+$0x400];
	v2 =	vmax.f32 v2, v54  }
0x61: {  	v59 =	vld [tilespmem:s19+$0x800];
	v2 =	vmax.f32 v2, v55  }
0x62: {  	v2 =	vmax.f32 v2, v3;
	v3 =	vld [tilespmem:s19+$0xC00]  }
0x63: {  	v60 =	vld [tilespmem:s19+$0x1000];
	v2 =	vmax.f32 v2, v56  }
0x64: {  	v61 =	vld [tilespmem:s19+$0x1400];
	v2 =	vmax.f32 v2, v57  }
0x65: {  	v62 =	vld [tilespmem:s19+$0x1800];
	v2 =	vmax.f32 v2, v58  }
0x66: {  	v63 =	vld [tilespmem:s19+$0x1C00];
	v2 =	vmax.f32 v2, v59  }
0x67: {  	p0 =	sne.s32 s21, $0x3E0;
	v2 =	vmax.f32 v2, v3  }
.Ltmp2:
0x68: {  	v2 =	vmax.f32 v2, v60;
	(pc) =	sbr.rel @p0 .LBB2_5-.Ltmp2, $4  }
0x69: {  	v2 =	vmax.f32 v2, v61  }
0x6a: {  	v2 =	vmax.f32 v2, v62  }
0x6b: {  	v2 =	vmax.f32 v2, v63  }
0x6c: {  	s21 =	sadd.s32 $0x20, s21;
	s19 =	sadd.s32 $0x20, s19;
	[tilespmem:s20+$0x0] =	vst v2;
	s20 =	sadd.s32 $0x20, s20  }
0x6d: {  	s19 =	simm.s32 $0x420;
	s20 =	simm.s32 $0x20  }
.LBB2_7:
0x6e: {  	v2 =	vld [tilespmem:s19+$0xFFFFFFE0];
	_ =	sdelay $0x4  }
0x6f: {  	v3 =	vadd.s32 v1, v2;
	_ =	sdelay $0x2  }
0x70: {  	v4 =	vld [tilespmem:s20+$0xFFFFFFE0]  }
0x71: {  	v2 =	vld.idx.msk [tilespmem:v2+s13+$0x0], $0xffff  }
0x72: {  	v5 =	vld.idx.msk [tilespmem:v3+s11+$0x0], $0xffff;
	_ =	sdelay $0x3  }
0x73: {  	v6 =	vor.u32 s18, v0  }
0x74: {  	vm1 =	vge.f32 v4, $1.000000010e-01;
	vm0 =	veq.f32 v4, v2;
	vm2 =	vlt.s32 v5, v6  }
0x75: {  	vm0 =	vmand vm1, vm0;
	v2 =	vsel vm2, v5, v6  }
0x76: {  	v2 =	vsel vm0, v2, v5  }
0x77: {  	[tilespmem:v3+s11+$0x0] =	vst.idx.msk $0xffff, v2  }
0x78: {  	v2 =	vld [tilespmem:s19+$0xFFFFFFF0];
	_ =	sdelay $0x4  }
0x79: {  	v3 =	vadd.s32 v1, v2;
	_ =	sdelay $0x2  }
0x7a: {  	v55 =	vld [tilespmem:s20+$0xFFFFFFF0]  }
0x7b: {  	v2 =	vld.idx.msk [tilespmem:v2+s13+$0x0], $0xffff  }
0x7c: {  	v56 =	vld.idx.msk [tilespmem:v3+s11+$0x0], $0xffff;
	_ =	sdelay $0x2  }
0x7d: {  	s21 =	sadd.s32 $0x10, s18  }
0x7e: {  	v57 =	vor.u32 s21, v0  }
0x7f: {  	vm8 =	vge.f32 v55, $1.000000010e-01;
	vm7 =	veq.f32 v55, v2;
	vm9 =	vlt.s32 v56, v57  }
0x80: {  	vm0 =	vmand vm8, vm7;
	v2 =	vsel vm9, v56, v57  }
0x81: {  	v2 =	vsel vm0, v2, v56  }
0x82: {  	[tilespmem:v3+s11+$0x0] =	vst.idx.msk $0xffff, v2  }
0x83: {  	v2 =	vld [tilespmem:s19+$0x0];
	_ =	sdelay $0x4  }
0x84: {  	v3 =	vadd.s32 v1, v2;
	_ =	sdelay $0x2  }
0x85: {  	v58 =	vld [tilespmem:s20+$0x0]  }
0x86: {  	v2 =	vld.idx.msk [tilespmem:v2+s13+$0x0], $0xffff  }
0x87: {  	v59 =	vld.idx.msk [tilespmem:v3+s11+$0x0], $0xffff;
	_ =	sdelay $0x2  }
0x88: {  	s30 =	sadd.s32 $0x20, s18  }
0x89: {  	v60 =	vor.u32 s30, v0  }
0x8a: {  	vm11 =	vge.f32 v58, $1.000000010e-01;
	vm10 =	veq.f32 v58, v2;
	vm12 =	vlt.s32 v59, v60  }
0x8b: {  	vm0 =	vmand vm11, vm10;
	v2 =	vsel vm12, v59, v60  }
0x8c: {  	v2 =	vsel vm0, v2, v59  }
0x8d: {  	[tilespmem:v3+s11+$0x0] =	vst.idx.msk $0xffff, v2  }
0x8e: {  	v2 =	vld [tilespmem:s19+$0x10];
	_ =	sdelay $0x4  }
0x8f: {  	v3 =	vadd.s32 v1, v2;
	_ =	sdelay $0x2  }
0x90: {  	v61 =	vld [tilespmem:s20+$0x10]  }
0x91: {  	v2 =	vld.idx.msk [tilespmem:v2+s13+$0x0], $0xffff  }
0x92: {  	v62 =	vld.idx.msk [tilespmem:v3+s11+$0x0], $0xffff;
	_ =	sdelay $0x2  }
0x93: {  	s31 =	sadd.s32 $0x30, s18;
	p0 =	sne.s32 s18, $0x3C0  }
.Ltmp3:
0x94: {  	v63 =	vor.u32 s31, v0;
	(pc) =	sbr.rel @p0 .LBB2_7-.Ltmp3, $4  }
0x95: {  	vm14 =	vge.f32 v61, $1.000000010e-01;
	vm13 =	veq.f32 v61, v2;
	vm15 =	vlt.s32 v62, v63  }
0x96: {  	vm0 =	vmand vm14, vm13;
	v2 =	vsel vm15, v62, v63  }
0x97: {  	v2 =	vsel vm0, v2, v62  }
0x98: {  	s18 =	sadd.s32 $0x40, s18;
	s19 =	sadd.s32 $0x40, s19;
	s20 =	sadd.s32 $0x40, s20;
	[tilespmem:v3+s11+$0x0] =	vst.idx.msk $0xffff, v2  }
0x99: {  	s18 =	simm.s32 $0x0;
	s19 =	simm.s32 $0x6C10  }
0x9a: {  	v2 =	vld [tilespmem:s19+$0xFFFFDFF0];
	s20 =	sand.u32 $0x3E0, s18  }
0x9b: {  	v3 =	vld [tilespmem:s20+$0x5000];
	_ =	sdelay $0x1  }
0x9c: {  	v4 =	vld [tilespmem:s20+$0x5400];
	_ =	sdelay $0x1  }
0x9d: {  	v5 =	vld [tilespmem:s20+$0x5800]  }
0x9e: {  	vm0 =	vlt.s32 v2, v3  }
0x9f: {  	v2 =	vsel vm0, v2, v3;
	v3 =	vld [tilespmem:s20+$0x5C00]  }
0xa0: {  	vm0 =	vlt.s32 v2, v4  }
0xa1: {  	v2 =	vsel vm0, v2, v4;
	v4 =	vld [tilespmem:s20+$0x6000]  }
0xa2: {  	vm0 =	vlt.s32 v2, v5  }
0xa3: {  	v2 =	vsel vm0, v2, v5;
	v5 =	vld [tilespmem:s20+$0x6400]  }
0xa4: {  	vm0 =	vlt.s32 v2, v3  }
0xa5: {  	v2 =	vsel vm0, v2, v3;
	v3 =	vld [tilespmem:s20+$0x6800]  }
0xa6: {  	vm0 =	vlt.s32 v2, v4  }
0xa7: {  	v2 =	vsel vm0, v2, v4;
	v4 =	vld [tilespmem:s20+$0x6C00]  }
0xa8: {  	vm0 =	vlt.s32 v2, v5  }
0xa9: {  	v2 =	vsel vm0, v2, v5;
	v5 =	vld [tilespmem:s20+$0x7000]  }
0xaa: {  	vm0 =	vlt.s32 v2, v3  }
0xab: {  	v2 =	vsel vm0, v2, v3;
	v3 =	vld [tilespmem:s20+$0x7400]  }
0xac: {  	vm0 =	vlt.s32 v2, v4  }
0xad: {  	v2 =	vsel vm0, v2, v4;
	v4 =	vld [tilespmem:s20+$0x7800]  }
0xae: {  	vm0 =	vlt.s32 v2, v5  }
0xaf: {  	v2 =	vsel vm0, v2, v5;
	v5 =	vld [tilespmem:s20+$0x7C00]  }
0xb0: {  	vm0 =	vlt.s32 v2, v3  }
0xb1: {  	v2 =	vsel vm0, v2, v3;
	v3 =	vld [tilespmem:s20+$0x8000]  }
0xb2: {  	vm0 =	vlt.s32 v2, v4  }
0xb3: {  	v2 =	vsel vm0, v2, v4;
	v4 =	vld [tilespmem:s20+$0x8400]  }
0xb4: {  	vm0 =	vlt.s32 v2, v5  }
0xb5: {  	v2 =	vsel vm0, v2, v5;
	v5 =	vld [tilespmem:s20+$0x8800]  }
0xb6: {  	vm0 =	vlt.s32 v2, v3  }
0xb7: {  	v2 =	vsel vm0, v2, v3  }
0xb8: {  	vm0 =	vlt.s32 v2, v4  }
0xb9: {  	v2 =	vsel vm0, v2, v4  }
0xba: {  	vm0 =	vlt.s32 v2, v5  }
0xbb: {  	s20 =	simm.s32 $0x8C10;
	v2 =	vsel vm0, v2, v5  }
0xbc: {  	[tilespmem:s20+$0xFFFFFFF0] =	vst v2  }
0xbd: {  	v2 =	vld [tilespmem:s19+$0xFFFFE000]  }
0xbe: {  	v3 =	vld [tilespmem:s19+$0xFFFFE400];
	_ =	sdelay $0x1  }
0xbf: {  	v4 =	vld [tilespmem:s19+$0xFFFFE800];
	_ =	sdelay $0x1  }
0xc0: {  	v5 =	vld [tilespmem:s19+$0xFFFFEC00]  }
0xc1: {  	vm0 =	vlt.s32 v2, v3  }
0xc2: {  	v6 =	vld [tilespmem:s19+$0xFFFFF000];
	v2 =	vsel vm0, v2, v3  }
0xc3: {  	vm0 =	vlt.s32 v2, v4  }
0xc4: {  	v3 =	vld [tilespmem:s19+$0xFFFFF400];
	v2 =	vsel vm0, v2, v4  }
0xc5: {  	vm0 =	vlt.s32 v2, v5  }
0xc6: {  	v4 =	vld [tilespmem:s19+$0xFFFFF800];
	v2 =	vsel vm0, v2, v5  }
0xc7: {  	vm0 =	vlt.s32 v2, v6  }
0xc8: {  	v5 =	vld [tilespmem:s19+$0xFFFFFC00];
	v2 =	vsel vm0, v2, v6  }
0xc9: {  	vm0 =	vlt.s32 v2, v3  }
0xca: {  	v62 =	vld [tilespmem:s19+$0x0];
	v2 =	vsel vm0, v2, v3  }
0xcb: {  	vm0 =	vlt.s32 v2, v4  }
0xcc: {  	v3 =	vld [tilespmem:s19+$0x400];
	v2 =	vsel vm0, v2, v4  }
0xcd: {  	vm0 =	vlt.s32 v2, v5  }
0xce: {  	v4 =	vld [tilespmem:s19+$0x800];
	v2 =	vsel vm0, v2, v5  }
0xcf: {  	vm0 =	vlt.s32 v2, v62  }
0xd0: {  	v5 =	vld [tilespmem:s19+$0xC00];
	v2 =	vsel vm0, v2, v62  }
0xd1: {  	vm0 =	vlt.s32 v2, v3  }
0xd2: {  	v63 =	vld [tilespmem:s19+$0x1000];
	v2 =	vsel vm0, v2, v3  }
0xd3: {  	vm0 =	vlt.s32 v2, v4  }
0xd4: {  	v3 =	vld [tilespmem:s19+$0x1400];
	v2 =	vsel vm0, v2, v4  }
0xd5: {  	vm0 =	vlt.s32 v2, v5  }
0xd6: {  	v4 =	vld [tilespmem:s19+$0x1800];
	v5 =	vsel vm0, v2, v5  }
0xd7: {  	vm0 =	vlt.s32 v5, v63  }
0xd8: {  	v2 =	vld [tilespmem:s19+$0x1C00];
	v5 =	vsel vm0, v5, v63  }
0xd9: {  	vm0 =	vlt.s32 v5, v3  }
0xda: {  	v3 =	vsel vm0, v5, v3  }
0xdb: {  	vm0 =	vlt.s32 v3, v4  }
0xdc: {  	v3 =	vsel vm0, v3, v4  }
0xdd: {  	s21 =	simm.s32 $0x20;
	s22 =	simm.s32 $0x8C10;
	vm0 =	vlt.s32 v3, v2  }
.LBB2_9:
0xde: {  	p0 =	sne.s32 s21, $0x3E0;
	v2 =	vsel vm0, v3, v2;
	s19 =	sadd.s32 $0x20, s19;
	s20 =	sadd.s32 $0x20, s20  }
0xdf: {  	s23 =	smov.u32 s21;
	s21 =	sadd.s32 $0x20, s21;
	[tilespmem:s22+$0x0] =	vst v2;
	s22 =	smov.u32 s20  }
0xe0: {  	s23 =	sand.u32 $0x3E0, s23;
	v2 =	vld [tilespmem:s19+$0xFFFFDFF0]  }
0xe1: {  	v3 =	vld [tilespmem:s23+$0x5000];
	_ =	sdelay $0x1  }
0xe2: {  	v4 =	vld [tilespmem:s23+$0x5400];
	_ =	sdelay $0x1  }
0xe3: {  	v5 =	vld [tilespmem:s23+$0x5800]  }
0xe4: {  	vm0 =	vlt.s32 v2, v3  }
0xe5: {  	v2 =	vsel vm0, v2, v3;
	v3 =	vld [tilespmem:s23+$0x5C00]  }
0xe6: {  	vm0 =	vlt.s32 v2, v4  }
0xe7: {  	v2 =	vsel vm0, v2, v4;
	v4 =	vld [tilespmem:s23+$0x6000]  }
0xe8: {  	vm0 =	vlt.s32 v2, v5  }
0xe9: {  	v2 =	vsel vm0, v2, v5;
	v5 =	vld [tilespmem:s23+$0x6400]  }
0xea: {  	vm0 =	vlt.s32 v2, v3  }
0xeb: {  	v2 =	vsel vm0, v2, v3;
	v3 =	vld [tilespmem:s23+$0x6800]  }
0xec: {  	vm0 =	vlt.s32 v2, v4  }
0xed: {  	v2 =	vsel vm0, v2, v4;
	v4 =	vld [tilespmem:s23+$0x6C00]  }
0xee: {  	vm0 =	vlt.s32 v2, v5  }
0xef: {  	v2 =	vsel vm0, v2, v5;
	v5 =	vld [tilespmem:s23+$0x7000]  }
0xf0: {  	vm0 =	vlt.s32 v2, v3  }
0xf1: {  	v2 =	vsel vm0, v2, v3;
	v3 =	vld [tilespmem:s23+$0x7400]  }
0xf2: {  	vm0 =	vlt.s32 v2, v4  }
0xf3: {  	v2 =	vsel vm0, v2, v4;
	v4 =	vld [tilespmem:s23+$0x7800]  }
0xf4: {  	vm0 =	vlt.s32 v2, v5  }
0xf5: {  	v2 =	vsel vm0, v2, v5;
	v5 =	vld [tilespmem:s23+$0x7C00]  }
0xf6: {  	vm0 =	vlt.s32 v2, v3  }
0xf7: {  	v2 =	vsel vm0, v2, v3;
	v3 =	vld [tilespmem:s23+$0x8000]  }
0xf8: {  	vm0 =	vlt.s32 v2, v4  }
0xf9: {  	v2 =	vsel vm0, v2, v4;
	v4 =	vld [tilespmem:s23+$0x8400]  }
0xfa: {  	vm0 =	vlt.s32 v2, v5  }
0xfb: {  	v2 =	vsel vm0, v2, v5;
	v5 =	vld [tilespmem:s23+$0x8800]  }
0xfc: {  	vm0 =	vlt.s32 v2, v3  }
0xfd: {  	v2 =	vsel vm0, v2, v3  }
0xfe: {  	vm0 =	vlt.s32 v2, v4  }
0xff: {  	v2 =	vsel vm0, v2, v4  }
0x100: {  	vm0 =	vlt.s32 v2, v5  }
0x101: {  	v2 =	vsel vm0, v2, v5  }
0x102: {  	[tilespmem:s20+$0xFFFFFFF0] =	vst v2  }
0x103: {  	v2 =	vld [tilespmem:s19+$0xFFFFE000]  }
0x104: {  	v3 =	vld [tilespmem:s19+$0xFFFFE400]  }
0x105: {  	v4 =	vld [tilespmem:s19+$0xFFFFE800];
	_ =	sdelay $0x1  }
0x106: {  	v5 =	vld [tilespmem:s19+$0xFFFFEC00];
	_ =	sdelay $0x1  }
0x107: {  	vm0 =	vlt.s32 v2, v3;
	v6 =	vld [tilespmem:s19+$0xFFFFF000]  }
0x108: {  	v2 =	vsel vm0, v2, v3  }
0x109: {  	vm0 =	vlt.s32 v2, v4;
	v3 =	vld [tilespmem:s19+$0xFFFFF400]  }
0x10a: {  	v2 =	vsel vm0, v2, v4  }
0x10b: {  	vm0 =	vlt.s32 v2, v5;
	v4 =	vld [tilespmem:s19+$0xFFFFF800]  }
0x10c: {  	v2 =	vsel vm0, v2, v5  }
0x10d: {  	vm0 =	vlt.s32 v2, v6;
	v5 =	vld [tilespmem:s19+$0xFFFFFC00]  }
0x10e: {  	v2 =	vsel vm0, v2, v6  }
0x10f: {  	vm0 =	vlt.s32 v2, v3;
	v6 =	vld [tilespmem:s19+$0x0]  }
0x110: {  	v2 =	vsel vm0, v2, v3  }
0x111: {  	vm0 =	vlt.s32 v2, v4;
	v3 =	vld [tilespmem:s19+$0x400]  }
0x112: {  	v2 =	vsel vm0, v2, v4  }
0x113: {  	vm0 =	vlt.s32 v2, v5;
	v4 =	vld [tilespmem:s19+$0x800]  }
0x114: {  	v2 =	vsel vm0, v2, v5  }
0x115: {  	vm0 =	vlt.s32 v2, v6;
	v5 =	vld [tilespmem:s19+$0xC00]  }
0x116: {  	v2 =	vsel vm0, v2, v6  }
0x117: {  	vm0 =	vlt.s32 v2, v3;
	v6 =	vld [tilespmem:s19+$0x1000]  }
0x118: {  	v2 =	vsel vm0, v2, v3  }
0x119: {  	vm0 =	vlt.s32 v2, v4;
	v3 =	vld [tilespmem:s19+$0x1400]  }
0x11a: {  	v2 =	vsel vm0, v2, v4  }
0x11b: {  	vm0 =	vlt.s32 v2, v5;
	v4 =	vld [tilespmem:s19+$0x1800]  }
0x11c: {  	v5 =	vsel vm0, v2, v5  }
0x11d: {  	vm0 =	vlt.s32 v5, v6;
	v2 =	vld [tilespmem:s19+$0x1C00]  }
0x11e: {  	v5 =	vsel vm0, v5, v6  }
.Ltmp4:
0x11f: {  	vm0 =	vlt.s32 v5, v3;
	(pc) =	sbr.rel @p0 .LBB2_9-.Ltmp4, $4  }
0x120: {  	v3 =	vsel vm0, v5, v3  }
0x121: {  	vm0 =	vlt.s32 v3, v4  }
0x122: {  	v3 =	vsel vm0, v3, v4  }
0x123: {  	vm0 =	vlt.s32 v3, v2  }
0x124: {  	v2 =	vsel vm0, v3, v2  }
0x125: {  	s19 =	simm.s32 $0x9020;
	s20 =	simm.s32 $0x420;
	[tilespmem:s22+$0x0] =	vst v2  }
.LBB2_11:
0x126: {  	v2 =	vld [tilespmem:s20+$0xFFFFFFE0];
	_ =	sdelay $0x7  }
0x127: {  	v3 =	vld.idx.msk [tilespmem:v2+s14+$0x0], $0xffff;
	_ =	sdelay $0x3  }
0x128: {  	v4 =	vor.u32 s18, v0  }
0x129: {  	vm0 =	veq.s32 v3, v4  }
0x12a: {  	v2 =	vnsel vm0, $0xFFFFFFFF, v2  }
0x12b: {  	[tilespmem:s19+$0xFFFFFFE0] =	vst v2  }
0x12c: {  	v2 =	vld [tilespmem:s20+$0xFFFFFFF0];
	_ =	sdelay $0x7  }
0x12d: {  	v3 =	vld.idx.msk [tilespmem:v2+s14+$0x0], $0xffff;
	_ =	sdelay $0x2  }
0x12e: {  	s21 =	sadd.s32 $0x10, s18  }
0x12f: {  	v61 =	vor.u32 s21, v0  }
0x130: {  	vm13 =	veq.s32 v3, v61  }
0x131: {  	v2 =	vnsel vm13, $0xFFFFFFFF, v2  }
0x132: {  	[tilespmem:s19+$0xFFFFFFF0] =	vst v2  }
0x133: {  	v2 =	vld [tilespmem:s20+$0x0];
	_ =	sdelay $0x7  }
0x134: {  	v3 =	vld.idx.msk [tilespmem:v2+s14+$0x0], $0xffff;
	_ =	sdelay $0x2  }
0x135: {  	s30 =	sadd.s32 $0x20, s18  }
0x136: {  	v62 =	vor.u32 s30, v0  }
0x137: {  	vm14 =	veq.s32 v3, v62  }
0x138: {  	v2 =	vnsel vm14, $0xFFFFFFFF, v2  }
0x139: {  	[tilespmem:s19+$0x0] =	vst v2  }
0x13a: {  	v2 =	vld [tilespmem:s20+$0x10];
	_ =	sdelay $0x7  }
0x13b: {  	v3 =	vld.idx.msk [tilespmem:v2+s14+$0x0], $0xffff;
	_ =	sdelay $0x1  }
0x13c: {  	p0 =	sne.s32 s18, $0x3C0  }
.Ltmp5:
0x13d: {  	s31 =	sadd.s32 $0x30, s18;
	(pc) =	sbr.rel @p0 .LBB2_11-.Ltmp5, $4  }
0x13e: {  	v63 =	vor.u32 s31, v0  }
0x13f: {  	vm15 =	veq.s32 v3, v63  }
0x140: {  	v2 =	vnsel vm15, $0xFFFFFFFF, v2  }
0x141: {  	s18 =	sadd.s32 $0x40, s18;
	s20 =	sadd.s32 $0x40, s20;
	[tilespmem:s19+$0x10] =	vst v2;
	s19 =	sadd.s32 $0x40, s19  }
0x142: {  	s17 =	sadd.s32 $0x1, s17  }
0x143: {  	p0 =	sne.s32 s17, s7  }
.Ltmp6:
0x144: {  	_ = 	snop;
	(pc) =	sbr.rel @p0 .LBB2_2-.Ltmp6, $4  }
0x145: {  	[hbm4b:s2+s8] =	stream.linear.scatter [tilespmem:s15], [sflag:$0x2], $0x400, $0x38;
	[tilespmem:$0x9400] =	vst v63  }
0x146: {  	_ =	swait.ge [sflag:s16], $0x400  }
0x147: {  	[sflag:s16] =	ssyncset.done $0x0  }
0x148: {  	[sflag:s16] =	ssyncadd.s32 $0xFFFFFC00  }
.LBB2_13:
0x149: {  	_ =	sfence.sel $0x180000  }
0x14a: {  	[bflag:$0x0] =	sbarrier.arrive $0xFFFF  }
0x14b: {  	p0 =	sne.s32 s0, $0x0;
	_ =	strace $0x90000047  }
0x14c: {  	s0 =	sadd.s32 @!p0 $0x100000, s1;
	[bflag:$0x2] =	sbarrier.arrive $0xFFFF  }
0x14d: {  	[sflag:s0] =	ssyncadd.tile.s32 @!p0 $0x1;
	_ =	shalt  }
.Lfunc_end2:
_tile_overlayer_lowered:
.L_overlay_start_2:
0x14e: {  	(tag) =	ssettag $0x2  }
0x14f: {  	s0 =	rddreg [dreg:$0x0];
	s2 =	stileid.u32  }
0x150: {  	s1 =	rddreg [dreg:$0x1];
	p0 =	sne.s32 s2, $0x0  }
0x151: {  	s3 =	rddreg [dreg:$0x2];
	[bflag:$0x3] =	sbarrier.arrive $0xFFFF;
	s2 =	simm.s32 @!p0 $0x1C02  }
0x152: {  	[timem:s3], [sflag:s2] =	dma.local @!p0 [hbm:s0], s1  }
0x153: {  	s0 =	simm.s32 @!p0 $0x2  }
0x154: {  	_ =	swait.ge @!p0 [sflag:s0], s1  }
0x155: {  	s1 =	ssub.s32 @!p0 $0x0, s1;
	[sflag:s0] =	ssyncset.done @!p0 $0x0  }
0x156: {  	[sflag:s0] =	ssyncadd.s32 @!p0 s1  }
0x157: {  	[bflag:$0x3] =	sbarrier.arrive $0xFFFF  }
0x158: {  	_ =	shalt  }

</sc_bundles>
